<compile_context>
chip_gen: v7x
topology: tpu7x:2x2x1
jax: 0.10.2.dev20260603
libtpu: 0.0.44.dev20260713+nightly
codegen_flags: <defaults>
</compile_context>

<pallas_src>
import functools

import jax
import jax.numpy as jnp
from jax import lax
from jax.experimental import pallas as pl
from jax.experimental.pallas import tpu as pltpu
from jax.experimental.pallas import tpu_sc as plsc

E = 8
K = 2
T = 2048
D = 1024
F = 1024
HD = D // 2
ROWS = T * K
BLK = 256
NB = 23
NPAD = NB * BLK

RR = 32
RL = 128

NC = 2
NS = 16
NW = NC * NS
TPW = T // NW


def _bf16_hi_bits(f):
    b = lax.bitcast_convert_type(f, jnp.uint32)
    return b + jnp.uint32(0x7FFF) + ((b >> 16) & jnp.uint32(1))


def _pack_cols(lo_f, hi_f):
    lo = _bf16_hi_bits(lo_f) >> 16
    hi = _bf16_hi_bits(hi_f) & jnp.uint32(0xFFFF0000)
    return lax.bitcast_convert_type(lo | hi, jnp.int32)


def _unpack_cols(p_i32):
    p = lax.bitcast_convert_type(p_i32, jnp.uint32)
    lo = lax.bitcast_convert_type(p << 16, jnp.float32)
    hi = lax.bitcast_convert_type(p & jnp.uint32(0xFFFF0000), jnp.float32)
    return lo, hi


def _routing_body(fe_ref, counts_ref, dest_ref, be_ref):
    fe = fe_ref[...]
    dest = jnp.zeros((RR, RL), jnp.int32)
    counts = jnp.zeros((1, E), jnp.int32)
    bexp = jnp.zeros((1, NB), jnp.int32)
    lane_e = lax.broadcasted_iota(jnp.int32, (1, E), 1)
    lane_b = lax.broadcasted_iota(jnp.int32, (1, NB), 1)
    blk_start = jnp.int32(0)
    for e in range(E):
        m = (fe == e).astype(jnp.int32)
        ic = m
        for s in (1, 2, 4, 8, 16, 32, 64):
            ic = ic + jnp.concatenate(
                [jnp.zeros((RR, s), jnp.int32), ic[:, : RL - s]], axis=1
            )
        rt = ic[:, RL - 1 :]
        er = rt
        for s in (1, 2, 4, 8, 16):
            er = er + jnp.concatenate(
                [jnp.zeros((s, 1), jnp.int32), er[: RR - s, :]], axis=0
            )
        er = er - rt
        c_e = er[RR - 1, 0] + rt[RR - 1, 0]
        nblk_e = (c_e + BLK - 1) // BLK
        pad_base = blk_start * BLK
        rank_e = er + ic - 1
        dest = dest + m * (rank_e + pad_base)
        counts = counts + jnp.where(lane_e == e, c_e, 0)
        bexp = bexp + (lane_b >= blk_start).astype(jnp.int32)
        blk_start = blk_start + nblk_e
    counts_ref[...] = counts
    dest_ref[...] = dest
    be_ref[...] = jnp.clip(bexp - 1, 0, E - 1)


_routing_call = pl.pallas_call(
    _routing_body,
    out_shape=[
        jax.ShapeDtypeStruct((1, E), jnp.int32),
        jax.ShapeDtypeStruct((RR, RL), jnp.int32),
        jax.ShapeDtypeStruct((1, NB), jnp.int32),
    ],
)


def _routing(expert_indices):
    fe = expert_indices.astype(jnp.int32).T.reshape(RR, RL)
    counts, dest, block_expert = _routing_call(fe)
    return counts.reshape(E), dest.reshape(ROWS), block_expert.reshape(NB)


@functools.lru_cache(maxsize=None)
def _sc_kernels():
    mesh = plsc.VectorSubcoreMesh(core_axis_name="c", subcore_axis_name="s")

    @functools.partial(
        pl.kernel,
        mesh=mesh,
        out_type=jax.ShapeDtypeStruct((NPAD, D), jnp.float32),
        scratch_types=[
            pltpu.VMEM((TPW,), jnp.int32),
            pltpu.VMEM((TPW,), jnp.int32),
            pltpu.VMEM((TPW, D), jnp.float32),
            pltpu.SemaphoreType.DMA,
        ],
    )
    def permute_in(x_hbm, dest_hbm, xs_hbm, d0_v, d1_v, xbuf, sem):
        wid = lax.axis_index("s") * NC + lax.axis_index("c")
        base = wid * TPW
        pltpu.sync_copy(dest_hbm.at[pl.ds(base, TPW)], d0_v)
        pltpu.sync_copy(dest_hbm.at[pl.ds(T + base, TPW)], d1_v)
        pltpu.sync_copy(x_hbm.at[pl.ds(base, TPW)], xbuf)
        c0 = pltpu.async_copy(xbuf, xs_hbm.at[d0_v], sem)
        c1 = pltpu.async_copy(xbuf, xs_hbm.at[d1_v], sem)
        c0.wait()
        c1.wait()

    @functools.partial(
        pl.kernel,
        mesh=mesh,
        out_type=[
            jax.ShapeDtypeStruct((T, HD), jnp.int32),
            jax.ShapeDtypeStruct((T, HD), jnp.int32),
        ],
        scratch_types=[
            pltpu.VMEM((TPW,), jnp.int32),
            pltpu.VMEM((TPW,), jnp.int32),
            pltpu.VMEM((TPW, HD), jnp.int32),
            pltpu.VMEM((TPW, HD), jnp.int32),
            pltpu.SemaphoreType.DMA,
        ],
    )
    def permute_out(ys_hbm, dest_hbm, y0_hbm, y1_hbm,
                    d0_v, d1_v, buf0, buf1, sem):
        wid = lax.axis_index("s") * NC + lax.axis_index("c")
        base = wid * TPW
        pltpu.sync_copy(dest_hbm.at[pl.ds(base, TPW)], d0_v)
        pltpu.sync_copy(dest_hbm.at[pl.ds(T + base, TPW)], d1_v)
        ca = pltpu.async_copy(ys_hbm.at[d0_v], buf0, sem)
        cb = pltpu.async_copy(ys_hbm.at[d1_v], buf1, sem)
        ca.wait()
        cb.wait()
        pltpu.sync_copy(buf0, y0_hbm.at[pl.ds(base, TPW)])
        pltpu.sync_copy(buf1, y1_hbm.at[pl.ds(base, TPW)])

    return permute_in, permute_out


def _gemm_body(be_ref, xs_ref, w1_ref, w2_ref, ys_ref):
    h = jnp.maximum(
        jnp.dot(xs_ref[...], w1_ref[0], preferred_element_type=jnp.float32), 0.0
    )
    y = jnp.dot(h, w2_ref[0], preferred_element_type=jnp.float32)
    ys_ref[...] = _pack_cols(y[:, :HD], y[:, HD:])


_grouped_gemm = pl.pallas_call(
    _gemm_body,
    grid_spec=pltpu.PrefetchScalarGridSpec(
        num_scalar_prefetch=1,
        grid=(NB,),
        in_specs=[
            pl.BlockSpec((BLK, D), lambda b, be: (b, 0)),
            pl.BlockSpec((1, D, F), lambda b, be: (be[b], 0, 0)),
            pl.BlockSpec((1, F, D), lambda b, be: (be[b], 0, 0)),
        ],
        out_specs=pl.BlockSpec((BLK, HD), lambda b, be: (b, 0)),
    ),
    out_shape=jax.ShapeDtypeStruct((NPAD, HD), jnp.int32),
    compiler_params=pltpu.CompilerParams(
        dimension_semantics=("arbitrary",),
    ),
)


TBC = 256


def _combine_body(y0_ref, y1_ref, w_ref, out_ref):
    w = w_ref[...]
    w0 = w[:, 0][:, None]
    w1c = w[:, 1][:, None]
    y0l, y0h = _unpack_cols(y0_ref[...])
    y1l, y1h = _unpack_cols(y1_ref[...])
    out_ref[:, :HD] = y0l * w0 + y1l * w1c
    out_ref[:, HD:] = y0h * w0 + y1h * w1c


_combine = pl.pallas_call(
    _combine_body,
    grid=(T // TBC,),
    in_specs=[
        pl.BlockSpec((TBC, HD), lambda i: (i, 0)),
        pl.BlockSpec((TBC, HD), lambda i: (i, 0)),
        pl.BlockSpec((TBC, K), lambda i: (i, 0)),
    ],
    out_specs=pl.BlockSpec((TBC, D), lambda i: (i, 0)),
    out_shape=jax.ShapeDtypeStruct((T, D), jnp.float32),
)


def kernel(x, expert_weights, expert_indices, w1, w2):
    counts, dest, block_expert = _routing(expert_indices)

    permute_in, permute_out = _sc_kernels()
    xs = permute_in(x, dest)
    ys = _grouped_gemm(block_expert, xs, w1, w2)
    y0i, y1i = permute_out(ys, dest)
    out = _combine(y0i, y1i, expert_weights.astype(jnp.float32))
    return out, counts

# --- scband reference (transcript-rebuilt; emitter-appended) ---
"""Pipeline reference for scband-parallel-dropless-mlp-56392920596548 (READ-ONLY COPY).

The authoritative reference and input builder live on the scoring server;
editing this copy changes nothing except your own understanding.
"""

import jax, jax.numpy as jnp
import numpy as np

E = 8
TOP_K = 2
D_MODEL = 1024
D_FF = 1024
T = 2048


def setup_inputs(seed: int = 0) -> dict:
    key = jax.random.key(seed)
    k1, k2, k3, k4, k5 = jax.random.split(key, 5)
    x = jax.random.normal(k1, (T, D_MODEL), dtype=jnp.float32)
    expert_weights = jax.random.uniform(k2, (T, TOP_K), dtype=jnp.float32)
    expert_weights = expert_weights / jnp.sum(expert_weights, axis=-1, keepdims=True)
    expert_indices = jax.random.randint(k3, (T, TOP_K), 0, E)
    w1 = jax.random.normal(k4, (E, D_MODEL, D_FF), dtype=jnp.float32) * 0.02
    w2 = jax.random.normal(k5, (E, D_FF, D_MODEL), dtype=jnp.float32) * 0.02
    return {
        "x": x,
        "expert_weights": expert_weights,
        "expert_indices": expert_indices,
        "w1": w1,
        "w2": w2,
    }


def reference(x, expert_weights, expert_indices, w1, w2):
    # ParallelDroplessMLP.forward_once (single-device / no expert-parallel path)
    in_shape = x.shape
    xf = x.reshape(-1, x.shape[-1])
    flat_e = expert_indices.reshape(-1)          # (T * top_k,)
    flat_w = expert_weights.reshape(-1)          # (T * top_k,)

    # indices_and_bins: histogram + stable sort by expert id
    batch_size_per_expert = jnp.bincount(flat_e, length=E)
    order = jnp.argsort(flat_e)                  # `indices` in torch code (stable)
    bin_ids = flat_e[order]                      # sorted expert id per routed row
    token_ids = order // TOP_K                   # source token of each routed row

    # ops.gather: permute tokens so rows are grouped by expert
    xg = jnp.take(xf, token_ids, axis=0)         # (T * top_k, d_model)

    # grouped (dropless) expert MLP: each row goes through its expert's FFN
    out_rows = jnp.zeros_like(xg)
    for e in range(E):
        h = jnp.maximum(xg @ w1[e], 0.0)
        y = h @ w2[e]
        out_rows = jnp.where((bin_ids == e)[:, None], y, out_rows)

    # ops.scatter: weight by router prob and un-permute (scatter-add over top_k)
    scaled = out_rows * flat_w[order][:, None]
    out = jnp.zeros_like(xf).at[token_ids].add(scaled)
    return out.reshape(in_shape), batch_size_per_expert

if __name__ == "__main__":
    import jax
    _d = setup_inputs()
    print(jax.jit(kernel)(*tuple(_d.values())))

</pallas_src>

<mosaic_0001>
#map = affine_map<(d0, d1) -> (0, 0)>
#map1 = affine_map<(d0, d1) -> (0)>
module attributes {stable_mosaic.version = 14 : i64} {
  func.func @permute_out(%arg0: i32, %arg1: i32, %arg2: memref<5888x512xi32, #tpu.memory_space<hbm>>, %arg3: memref<4096xi32, #tpu.memory_space<hbm>>, %arg4: memref<2048x512xi32, #tpu.memory_space<hbm>>, %arg5: memref<2048x512xi32, #tpu.memory_space<hbm>>, %arg6: memref<64xi32, #tpu.memory_space<vmem>>, %arg7: memref<64xi32, #tpu.memory_space<vmem>>, %arg8: memref<64x512xi32, #tpu.memory_space<vmem>>, %arg9: memref<64x512xi32, #tpu.memory_space<vmem>>, %arg10: memref<!tpu.dma_semaphore, #tpu.memory_space<semaphore_mem>>) attributes {dimension_semantics = [#tpu.dimension_semantics<core_parallel>, #tpu.dimension_semantics<subcore_parallel>], iteration_bounds = array<i64: 2, 16>, scalar_prefetch = 0 : i64, scratch_operands = 5 : i64, tpu.core_type = #tpu.core_type<sc_vector_subcore>, window_params = [{transform_indices = #map}, {transform_indices = #map1}, {transform_indices = #map}, {transform_indices = #map}]} {
    %mul3A = arith.constant 2 : i32
    %mul3A_0 = arith.muli %arg1, %mul3A : i32
    %add3A = arith.addi %mul3A_0, %arg0 : i32
    %mul3A_1 = arith.constant 64 : i32
    %mul3A_2 = arith.muli %add3A, %mul3A_1 : i32
    "tpu.region"() ({
      %run_scoped3A = tpu.sem_alloc : memref<!tpu.dma_semaphore, #tpu.memory_space<semaphore_mem>>
      %dma_start3A_15 = tpu.memref_slice %arg3[%mul3A_2] : memref<4096xi32, #tpu.memory_space<hbm>> -> memref<64xi32, #tpu.memory_space<hbm>>
      %dma_start3A_16 = tpu.memref_slice %arg3[%mul3A_2] : memref<4096xi32, #tpu.memory_space<hbm>> -> memref<64xi32, #tpu.memory_space<hbm>>
      tpu.enqueue_dma source(%dma_start3A_16 : memref<64xi32, #tpu.memory_space<hbm>>) target(%arg6 : memref<64xi32, #tpu.memory_space<vmem>>) target_semaphore(%run_scoped3A : memref<!tpu.dma_semaphore, #tpu.memory_space<semaphore_mem>>)
      %dma_wait3A_17 = tpu.memref_slice %arg3[%mul3A_2] : memref<4096xi32, #tpu.memory_space<hbm>> -> memref<64xi32, #tpu.memory_space<hbm>>
      %dma_wait3A_18 = tpu.memref_slice %arg3[%mul3A_2] : memref<4096xi32, #tpu.memory_space<hbm>> -> memref<64xi32, #tpu.memory_space<hbm>>
      tpu.wait_dma2 semaphore(%run_scoped3A : memref<!tpu.dma_semaphore, #tpu.memory_space<semaphore_mem>>) src(%dma_wait3A_18 : memref<64xi32, #tpu.memory_space<hbm>>) dst(%arg6 : memref<64xi32, #tpu.memory_space<vmem>>)
      tpu.yield
    }) : () -> ()
    %add3A_3 = arith.constant 2048 : i32
    %add3A_4 = arith.addi %add3A_3, %mul3A_2 : i32
    "tpu.region"() ({
      %run_scoped3A = tpu.sem_alloc : memref<!tpu.dma_semaphore, #tpu.memory_space<semaphore_mem>>
      %dma_start3A_15 = tpu.memref_slice %arg3[%add3A_4] : memref<4096xi32, #tpu.memory_space<hbm>> -> memref<64xi32, #tpu.memory_space<hbm>>
      %dma_start3A_16 = tpu.memref_slice %arg3[%add3A_4] : memref<4096xi32, #tpu.memory_space<hbm>> -> memref<64xi32, #tpu.memory_space<hbm>>
      tpu.enqueue_dma source(%dma_start3A_16 : memref<64xi32, #tpu.memory_space<hbm>>) target(%arg7 : memref<64xi32, #tpu.memory_space<vmem>>) target_semaphore(%run_scoped3A : memref<!tpu.dma_semaphore, #tpu.memory_space<semaphore_mem>>)
      %dma_wait3A_17 = tpu.memref_slice %arg3[%add3A_4] : memref<4096xi32, #tpu.memory_space<hbm>> -> memref<64xi32, #tpu.memory_space<hbm>>
      %dma_wait3A_18 = tpu.memref_slice %arg3[%add3A_4] : memref<4096xi32, #tpu.memory_space<hbm>> -> memref<64xi32, #tpu.memory_space<hbm>>
      tpu.wait_dma2 semaphore(%run_scoped3A : memref<!tpu.dma_semaphore, #tpu.memory_space<semaphore_mem>>) src(%dma_wait3A_18 : memref<64xi32, #tpu.memory_space<hbm>>) dst(%arg7 : memref<64xi32, #tpu.memory_space<vmem>>)
      tpu.yield
    }) : () -> ()
    %dma_start3A = arith.constant 0 : i32
    %dma_start3A_5 = arith.constant 0 : i32
    %dma_start3A_6 = tpu.memref_slice %arg2[%dma_start3A, %dma_start3A_5] : memref<5888x512xi32, #tpu.memory_space<hbm>> -> memref<5888x512xi32, #tpu.memory_space<hbm>>
    tpu.enqueue_indirect_dma source(%dma_start3A_6 : memref<5888x512xi32, #tpu.memory_space<hbm>>) target(%arg8 : memref<64x512xi32, #tpu.memory_space<vmem>>) offsets(%arg6 : memref<64xi32, #tpu.memory_space<vmem>>) semaphore(%arg10 : memref<!tpu.dma_semaphore, #tpu.memory_space<semaphore_mem>>)
    %dma_start3A_7 = arith.constant 0 : i32
    %dma_start3A_8 = arith.constant 0 : i32
    %dma_start3A_9 = tpu.memref_slice %arg2[%dma_start3A_7, %dma_start3A_8] : memref<5888x512xi32, #tpu.memory_space<hbm>> -> memref<5888x512xi32, #tpu.memory_space<hbm>>
    tpu.enqueue_indirect_dma source(%dma_start3A_9 : memref<5888x512xi32, #tpu.memory_space<hbm>>) target(%arg9 : memref<64x512xi32, #tpu.memory_space<vmem>>) offsets(%arg7 : memref<64xi32, #tpu.memory_space<vmem>>) semaphore(%arg10 : memref<!tpu.dma_semaphore, #tpu.memory_space<semaphore_mem>>)
    %dma_wait3A = arith.constant 0 : i32
    %dma_wait3A_10 = arith.constant 0 : i32
    %dma_wait3A_11 = tpu.memref_slice %arg2[%dma_wait3A, %dma_wait3A_10] : memref<5888x512xi32, #tpu.memory_space<hbm>> -> memref<5888x512xi32, #tpu.memory_space<hbm>>
    tpu.wait_indirect_dma semaphore(%arg10 : memref<!tpu.dma_semaphore, #tpu.memory_space<semaphore_mem>>) src(%dma_wait3A_11 : memref<5888x512xi32, #tpu.memory_space<hbm>>) dst(%arg8 : memref<64x512xi32, #tpu.memory_space<vmem>>)
    %dma_wait3A_12 = arith.constant 0 : i32
    %dma_wait3A_13 = arith.constant 0 : i32
    %dma_wait3A_14 = tpu.memref_slice %arg2[%dma_wait3A_12, %dma_wait3A_13] : memref<5888x512xi32, #tpu.memory_space<hbm>> -> memref<5888x512xi32, #tpu.memory_space<hbm>>
    tpu.wait_indirect_dma semaphore(%arg10 : memref<!tpu.dma_semaphore, #tpu.memory_space<semaphore_mem>>) src(%dma_wait3A_14 : memref<5888x512xi32, #tpu.memory_space<hbm>>) dst(%arg9 : memref<64x512xi32, #tpu.memory_space<vmem>>)
    "tpu.region"() ({
      %run_scoped3A = tpu.sem_alloc : memref<!tpu.dma_semaphore, #tpu.memory_space<semaphore_mem>>
      %dma_start3A_15 = arith.constant 0 : i32
      %dma_start3A_16 = tpu.memref_slice %arg4[%mul3A_2, %dma_start3A_15] : memref<2048x512xi32, #tpu.memory_space<hbm>> -> memref<64x512xi32, #tpu.memory_space<hbm>>
      %dma_start3A_17 = arith.constant 0 : i32
      %dma_start3A_18 = tpu.memref_slice %arg4[%mul3A_2, %dma_start3A_17] : memref<2048x512xi32, #tpu.memory_space<hbm>> -> memref<64x512xi32, #tpu.memory_space<hbm>>
      tpu.enqueue_dma source(%arg8 : memref<64x512xi32, #tpu.memory_space<vmem>>) target(%dma_start3A_18 : memref<64x512xi32, #tpu.memory_space<hbm>>) target_semaphore(%run_scoped3A : memref<!tpu.dma_semaphore, #tpu.memory_space<semaphore_mem>>)
      %dma_wait3A_19 = arith.constant 0 : i32
      %dma_wait3A_20 = tpu.memref_slice %arg4[%mul3A_2, %dma_wait3A_19] : memref<2048x512xi32, #tpu.memory_space<hbm>> -> memref<64x512xi32, #tpu.memory_space<hbm>>
      %dma_wait3A_21 = arith.constant 0 : i32
      %dma_wait3A_22 = tpu.memref_slice %arg4[%mul3A_2, %dma_wait3A_21] : memref<2048x512xi32, #tpu.memory_space<hbm>> -> memref<64x512xi32, #tpu.memory_space<hbm>>
      tpu.wait_dma2 semaphore(%run_scoped3A : memref<!tpu.dma_semaphore, #tpu.memory_space<semaphore_mem>>) src(%arg8 : memref<64x512xi32, #tpu.memory_space<vmem>>) dst(%dma_wait3A_22 : memref<64x512xi32, #tpu.memory_space<hbm>>)
      tpu.yield
    }) : () -> ()
    "tpu.region"() ({
      %run_scoped3A = tpu.sem_alloc : memref<!tpu.dma_semaphore, #tpu.memory_space<semaphore_mem>>
      %dma_start3A_15 = arith.constant 0 : i32
      %dma_start3A_16 = tpu.memref_slice %arg5[%mul3A_2, %dma_start3A_15] : memref<2048x512xi32, #tpu.memory_space<hbm>> -> memref<64x512xi32, #tpu.memory_space<hbm>>
      %dma_start3A_17 = arith.constant 0 : i32
      %dma_start3A_18 = tpu.memref_slice %arg5[%mul3A_2, %dma_start3A_17] : memref<2048x512xi32, #tpu.memory_space<hbm>> -> memref<64x512xi32, #tpu.memory_space<hbm>>
      tpu.enqueue_dma source(%arg9 : memref<64x512xi32, #tpu.memory_space<vmem>>) target(%dma_start3A_18 : memref<64x512xi32, #tpu.memory_space<hbm>>) target_semaphore(%run_scoped3A : memref<!tpu.dma_semaphore, #tpu.memory_space<semaphore_mem>>)
      %dma_wait3A_19 = arith.constant 0 : i32
      %dma_wait3A_20 = tpu.memref_slice %arg5[%mul3A_2, %dma_wait3A_19] : memref<2048x512xi32, #tpu.memory_space<hbm>> -> memref<64x512xi32, #tpu.memory_space<hbm>>
      %dma_wait3A_21 = arith.constant 0 : i32
      %dma_wait3A_22 = tpu.memref_slice %arg5[%mul3A_2, %dma_wait3A_21] : memref<2048x512xi32, #tpu.memory_space<hbm>> -> memref<64x512xi32, #tpu.memory_space<hbm>>
      tpu.wait_dma2 semaphore(%run_scoped3A : memref<!tpu.dma_semaphore, #tpu.memory_space<semaphore_mem>>) src(%arg9 : memref<64x512xi32, #tpu.memory_space<vmem>>) dst(%dma_wait3A_22 : memref<64x512xi32, #tpu.memory_space<hbm>>)
      tpu.yield
    }) : () -> ()
    return
  }
}

#map = affine_map<(d0, d1) -> (0, 0)>
#map1 = affine_map<(d0, d1) -> (0)>
module attributes {stable_mosaic.version = 14 : i64} {
  func.func @permute_in(%arg0: i32, %arg1: i32, %arg2: memref<2048x1024xf32, #tpu.memory_space<hbm>>, %arg3: memref<4096xi32, #tpu.memory_space<hbm>>, %arg4: memref<5888x1024xf32, #tpu.memory_space<hbm>>, %arg5: memref<64xi32, #tpu.memory_space<vmem>>, %arg6: memref<64xi32, #tpu.memory_space<vmem>>, %arg7: memref<64x1024xf32, #tpu.memory_space<vmem>>, %arg8: memref<!tpu.dma_semaphore, #tpu.memory_space<semaphore_mem>>) attributes {dimension_semantics = [#tpu.dimension_semantics<core_parallel>, #tpu.dimension_semantics<subcore_parallel>], iteration_bounds = array<i64: 2, 16>, scalar_prefetch = 0 : i64, scratch_operands = 4 : i64, tpu.core_type = #tpu.core_type<sc_vector_subcore>, window_params = [{transform_indices = #map}, {transform_indices = #map1}, {transform_indices = #map}]} {
    %mul3A = arith.constant 2 : i32
    %mul3A_0 = arith.muli %arg1, %mul3A : i32
    %add3A = arith.addi %mul3A_0, %arg0 : i32
    %mul3A_1 = arith.constant 64 : i32
    %mul3A_2 = arith.muli %add3A, %mul3A_1 : i32
    "tpu.region"() ({
      %run_scoped3A = tpu.sem_alloc : memref<!tpu.dma_semaphore, #tpu.memory_space<semaphore_mem>>
      %dma_start3A_15 = tpu.memref_slice %arg3[%mul3A_2] : memref<4096xi32, #tpu.memory_space<hbm>> -> memref<64xi32, #tpu.memory_space<hbm>>
      %dma_start3A_16 = tpu.memref_slice %arg3[%mul3A_2] : memref<4096xi32, #tpu.memory_space<hbm>> -> memref<64xi32, #tpu.memory_space<hbm>>
      tpu.enqueue_dma source(%dma_start3A_16 : memref<64xi32, #tpu.memory_space<hbm>>) target(%arg5 : memref<64xi32, #tpu.memory_space<vmem>>) target_semaphore(%run_scoped3A : memref<!tpu.dma_semaphore, #tpu.memory_space<semaphore_mem>>)
      %dma_wait3A_17 = tpu.memref_slice %arg3[%mul3A_2] : memref<4096xi32, #tpu.memory_space<hbm>> -> memref<64xi32, #tpu.memory_space<hbm>>
      %dma_wait3A_18 = tpu.memref_slice %arg3[%mul3A_2] : memref<4096xi32, #tpu.memory_space<hbm>> -> memref<64xi32, #tpu.memory_space<hbm>>
      tpu.wait_dma2 semaphore(%run_scoped3A : memref<!tpu.dma_semaphore, #tpu.memory_space<semaphore_mem>>) src(%dma_wait3A_18 : memref<64xi32, #tpu.memory_space<hbm>>) dst(%arg5 : memref<64xi32, #tpu.memory_space<vmem>>)
      tpu.yield
    }) : () -> ()
    %add3A_3 = arith.constant 2048 : i32
    %add3A_4 = arith.addi %add3A_3, %mul3A_2 : i32
    "tpu.region"() ({
      %run_scoped3A = tpu.sem_alloc : memref<!tpu.dma_semaphore, #tpu.memory_space<semaphore_mem>>
      %dma_start3A_15 = tpu.memref_slice %arg3[%add3A_4] : memref<4096xi32, #tpu.memory_space<hbm>> -> memref<64xi32, #tpu.memory_space<hbm>>
      %dma_start3A_16 = tpu.memref_slice %arg3[%add3A_4] : memref<4096xi32, #tpu.memory_space<hbm>> -> memref<64xi32, #tpu.memory_space<hbm>>
      tpu.enqueue_dma source(%dma_start3A_16 : memref<64xi32, #tpu.memory_space<hbm>>) target(%arg6 : memref<64xi32, #tpu.memory_space<vmem>>) target_semaphore(%run_scoped3A : memref<!tpu.dma_semaphore, #tpu.memory_space<semaphore_mem>>)
      %dma_wait3A_17 = tpu.memref_slice %arg3[%add3A_4] : memref<4096xi32, #tpu.memory_space<hbm>> -> memref<64xi32, #tpu.memory_space<hbm>>
      %dma_wait3A_18 = tpu.memref_slice %arg3[%add3A_4] : memref<4096xi32, #tpu.memory_space<hbm>> -> memref<64xi32, #tpu.memory_space<hbm>>
      tpu.wait_dma2 semaphore(%run_scoped3A : memref<!tpu.dma_semaphore, #tpu.memory_space<semaphore_mem>>) src(%dma_wait3A_18 : memref<64xi32, #tpu.memory_space<hbm>>) dst(%arg6 : memref<64xi32, #tpu.memory_space<vmem>>)
      tpu.yield
    }) : () -> ()
    "tpu.region"() ({
      %run_scoped3A = tpu.sem_alloc : memref<!tpu.dma_semaphore, #tpu.memory_space<semaphore_mem>>
      %dma_start3A_15 = arith.constant 0 : i32
      %dma_start3A_16 = tpu.memref_slice %arg2[%mul3A_2, %dma_start3A_15] : memref<2048x1024xf32, #tpu.memory_space<hbm>> -> memref<64x1024xf32, #tpu.memory_space<hbm>>
      %dma_start3A_17 = arith.constant 0 : i32
      %dma_start3A_18 = tpu.memref_slice %arg2[%mul3A_2, %dma_start3A_17] : memref<2048x1024xf32, #tpu.memory_space<hbm>> -> memref<64x1024xf32, #tpu.memory_space<hbm>>
      tpu.enqueue_dma source(%dma_start3A_18 : memref<64x1024xf32, #tpu.memory_space<hbm>>) target(%arg7 : memref<64x1024xf32, #tpu.memory_space<vmem>>) target_semaphore(%run_scoped3A : memref<!tpu.dma_semaphore, #tpu.memory_space<semaphore_mem>>)
      %dma_wait3A_19 = arith.constant 0 : i32
      %dma_wait3A_20 = tpu.memref_slice %arg2[%mul3A_2, %dma_wait3A_19] : memref<2048x1024xf32, #tpu.memory_space<hbm>> -> memref<64x1024xf32, #tpu.memory_space<hbm>>
      %dma_wait3A_21 = arith.constant 0 : i32
      %dma_wait3A_22 = tpu.memref_slice %arg2[%mul3A_2, %dma_wait3A_21] : memref<2048x1024xf32, #tpu.memory_space<hbm>> -> memref<64x1024xf32, #tpu.memory_space<hbm>>
      tpu.wait_dma2 semaphore(%run_scoped3A : memref<!tpu.dma_semaphore, #tpu.memory_space<semaphore_mem>>) src(%dma_wait3A_22 : memref<64x1024xf32, #tpu.memory_space<hbm>>) dst(%arg7 : memref<64x1024xf32, #tpu.memory_space<vmem>>)
      tpu.yield
    }) : () -> ()
    %dma_start3A = arith.constant 0 : i32
    %dma_start3A_5 = arith.constant 0 : i32
    %dma_start3A_6 = tpu.memref_slice %arg4[%dma_start3A, %dma_start3A_5] : memref<5888x1024xf32, #tpu.memory_space<hbm>> -> memref<5888x1024xf32, #tpu.memory_space<hbm>>
    tpu.enqueue_indirect_dma source(%arg7 : memref<64x1024xf32, #tpu.memory_space<vmem>>) target(%dma_start3A_6 : memref<5888x1024xf32, #tpu.memory_space<hbm>>) offsets(%arg5 : memref<64xi32, #tpu.memory_space<vmem>>) semaphore(%arg8 : memref<!tpu.dma_semaphore, #tpu.memory_space<semaphore_mem>>)
    %dma_start3A_7 = arith.constant 0 : i32
    %dma_start3A_8 = arith.constant 0 : i32
    %dma_start3A_9 = tpu.memref_slice %arg4[%dma_start3A_7, %dma_start3A_8] : memref<5888x1024xf32, #tpu.memory_space<hbm>> -> memref<5888x1024xf32, #tpu.memory_space<hbm>>
    tpu.enqueue_indirect_dma source(%arg7 : memref<64x1024xf32, #tpu.memory_space<vmem>>) target(%dma_start3A_9 : memref<5888x1024xf32, #tpu.memory_space<hbm>>) offsets(%arg6 : memref<64xi32, #tpu.memory_space<vmem>>) semaphore(%arg8 : memref<!tpu.dma_semaphore, #tpu.memory_space<semaphore_mem>>)
    %dma_wait3A = arith.constant 0 : i32
    %dma_wait3A_10 = arith.constant 0 : i32
    %dma_wait3A_11 = tpu.memref_slice %arg4[%dma_wait3A, %dma_wait3A_10] : memref<5888x1024xf32, #tpu.memory_space<hbm>> -> memref<5888x1024xf32, #tpu.memory_space<hbm>>
    tpu.wait_indirect_dma semaphore(%arg8 : memref<!tpu.dma_semaphore, #tpu.memory_space<semaphore_mem>>) src(%arg7 : memref<64x1024xf32, #tpu.memory_space<vmem>>) dst(%dma_wait3A_11 : memref<5888x1024xf32, #tpu.memory_space<hbm>>)
    %dma_wait3A_12 = arith.constant 0 : i32
    %dma_wait3A_13 = arith.constant 0 : i32
    %dma_wait3A_14 = tpu.memref_slice %arg4[%dma_wait3A_12, %dma_wait3A_13] : memref<5888x1024xf32, #tpu.memory_space<hbm>> -> memref<5888x1024xf32, #tpu.memory_space<hbm>>
    tpu.wait_indirect_dma semaphore(%arg8 : memref<!tpu.dma_semaphore, #tpu.memory_space<semaphore_mem>>) src(%arg7 : memref<64x1024xf32, #tpu.memory_space<vmem>>) dst(%dma_wait3A_14 : memref<5888x1024xf32, #tpu.memory_space<hbm>>)
    return
  }
}

module attributes {stable_mosaic.version = 14 : i64} {
  func.func @_routing_body(%arg0: memref<32x128xi32, #tpu.memory_space<vmem>>, %arg1: memref<1x8xi32, #tpu.memory_space<vmem>>, %arg2: memref<32x128xi32, #tpu.memory_space<vmem>>, %arg3: memref<1x23xi32, #tpu.memory_space<vmem>>) attributes {dimension_semantics = [], scalar_prefetch = 0 : i64, scratch_operands = 0 : i64, tpu.core_type = #tpu.core_type<tc>} {
    %get3A = arith.constant 0 : index
    %get3A_0 = arith.constant 0 : index
    %get3A_1 = vector.load %arg0[%get3A, %get3A_0] : memref<32x128xi32, #tpu.memory_space<vmem>>, vector<32x128xi32>
    %broadcast_in_dim3A = arith.constant 0 : i32
    %broadcast_in_dim3A_2 = vector.broadcast %broadcast_in_dim3A : i32 to vector<32x128xi32>
    %broadcast_in_dim3A_3 = arith.constant 0 : i32
    %broadcast_in_dim3A_4 = vector.broadcast %broadcast_in_dim3A_3 : i32 to vector<1x8xi32>
    %broadcast_in_dim3A_5 = arith.constant 0 : i32
    %broadcast_in_dim3A_6 = vector.broadcast %broadcast_in_dim3A_5 : i32 to vector<1x23xi32>
    %iota3A = tpu.iota {dimensions = array<i32: 1>} : vector<1x8xi32>
    %iota3A_7 = tpu.iota {dimensions = array<i32: 1>} : vector<1x23xi32>
    %eq3A = arith.constant 0 : i32
    %eq3A_8 = vector.broadcast %eq3A : i32 to vector<32x128xi32>
    %eq3A_9 = arith.cmpi eq, %get3A_1, %eq3A_8 : vector<32x128xi32>
    %convert_element_type3A = arith.extui %eq3A_9 : vector<32x128xi1> to vector<32x128xi32>
    %broadcast_in_dim3A_10 = arith.constant 0 : i32
    %broadcast_in_dim3A_11 = vector.broadcast %broadcast_in_dim3A_10 : i32 to vector<32x1xi32>
    %slice3A = vector.extract_strided_slice %convert_element_type3A {offsets = [0, 0], sizes = [32, 127], strides = [1, 1]} : vector<32x128xi32> to vector<32x127xi32>
    %concatenate3A = tpu.concatenate %broadcast_in_dim3A_11, %slice3A in 1 : vector<32x1xi32>, vector<32x127xi32> -> vector<32x128xi32>
    %add3A = arith.addi %convert_element_type3A, %concatenate3A : vector<32x128xi32>
    %broadcast_in_dim3A_12 = arith.constant 0 : i32
    %broadcast_in_dim3A_13 = vector.broadcast %broadcast_in_dim3A_12 : i32 to vector<32x2xi32>
    %slice3A_14 = vector.extract_strided_slice %add3A {offsets = [0, 0], sizes = [32, 126], strides = [1, 1]} : vector<32x128xi32> to vector<32x126xi32>
    %concatenate3A_15 = tpu.concatenate %broadcast_in_dim3A_13, %slice3A_14 in 1 : vector<32x2xi32>, vector<32x126xi32> -> vector<32x128xi32>
    %add3A_16 = arith.addi %add3A, %concatenate3A_15 : vector<32x128xi32>
    %broadcast_in_dim3A_17 = arith.constant 0 : i32
    %broadcast_in_dim3A_18 = vector.broadcast %broadcast_in_dim3A_17 : i32 to vector<32x4xi32>
    %slice3A_19 = vector.extract_strided_slice %add3A_16 {offsets = [0, 0], sizes = [32, 124], strides = [1, 1]} : vector<32x128xi32> to vector<32x124xi32>
    %concatenate3A_20 = tpu.concatenate %broadcast_in_dim3A_18, %slice3A_19 in 1 : vector<32x4xi32>, vector<32x124xi32> -> vector<32x128xi32>
    %add3A_21 = arith.addi %add3A_16, %concatenate3A_20 : vector<32x128xi32>
    %broadcast_in_dim3A_22 = arith.constant 0 : i32
    %broadcast_in_dim3A_23 = vector.broadcast %broadcast_in_dim3A_22 : i32 to vector<32x8xi32>
    %slice3A_24 = vector.extract_strided_slice %add3A_21 {offsets = [0, 0], sizes = [32, 120], strides = [1, 1]} : vector<32x128xi32> to vector<32x120xi32>
    %concatenate3A_25 = tpu.concatenate %broadcast_in_dim3A_23, %slice3A_24 in 1 : vector<32x8xi32>, vector<32x120xi32> -> vector<32x128xi32>
    %add3A_26 = arith.addi %add3A_21, %concatenate3A_25 : vector<32x128xi32>
    %broadcast_in_dim3A_27 = arith.constant 0 : i32
    %broadcast_in_dim3A_28 = vector.broadcast %broadcast_in_dim3A_27 : i32 to vector<32x16xi32>
    %slice3A_29 = vector.extract_strided_slice %add3A_26 {offsets = [0, 0], sizes = [32, 112], strides = [1, 1]} : vector<32x128xi32> to vector<32x112xi32>
    %concatenate3A_30 = tpu.concatenate %broadcast_in_dim3A_28, %slice3A_29 in 1 : vector<32x16xi32>, vector<32x112xi32> -> vector<32x128xi32>
    %add3A_31 = arith.addi %add3A_26, %concatenate3A_30 : vector<32x128xi32>
    %broadcast_in_dim3A_32 = arith.constant 0 : i32
    %broadcast_in_dim3A_33 = vector.broadcast %broadcast_in_dim3A_32 : i32 to vector<32x32xi32>
    %slice3A_34 = vector.extract_strided_slice %add3A_31 {offsets = [0, 0], sizes = [32, 96], strides = [1, 1]} : vector<32x128xi32> to vector<32x96xi32>
    %concatenate3A_35 = tpu.concatenate %broadcast_in_dim3A_33, %slice3A_34 in 1 : vector<32x32xi32>, vector<32x96xi32> -> vector<32x128xi32>
    %add3A_36 = arith.addi %add3A_31, %concatenate3A_35 : vector<32x128xi32>
    %broadcast_in_dim3A_37 = arith.constant 0 : i32
    %broadcast_in_dim3A_38 = vector.broadcast %broadcast_in_dim3A_37 : i32 to vector<32x64xi32>
    %slice3A_39 = vector.extract_strided_slice %add3A_36 {offsets = [0, 0], sizes = [32, 64], strides = [1, 1]} : vector<32x128xi32> to vector<32x64xi32>
    %concatenate3A_40 = tpu.concatenate %broadcast_in_dim3A_38, %slice3A_39 in 1 : vector<32x64xi32>, vector<32x64xi32> -> vector<32x128xi32>
    %add3A_41 = arith.addi %add3A_36, %concatenate3A_40 : vector<32x128xi32>
    %slice3A_42 = vector.extract_strided_slice %add3A_41 {offsets = [0, 127], sizes = [32, 1], strides = [1, 1]} : vector<32x128xi32> to vector<32x1xi32>
    %broadcast_in_dim3A_43 = arith.constant 0 : i32
    %broadcast_in_dim3A_44 = vector.broadcast %broadcast_in_dim3A_43 : i32 to vector<1x1xi32>
    %slice3A_45 = vector.extract_strided_slice %slice3A_42 {offsets = [0, 0], sizes = [31, 1], strides = [1, 1]} : vector<32x1xi32> to vector<31x1xi32>
    %concatenate3A_46 = tpu.concatenate %broadcast_in_dim3A_44, %slice3A_45 in 0 : vector<1x1xi32>, vector<31x1xi32> -> vector<32x1xi32>
    %add3A_47 = arith.addi %slice3A_42, %concatenate3A_46 : vector<32x1xi32>
    %broadcast_in_dim3A_48 = arith.constant 0 : i32
    %broadcast_in_dim3A_49 = vector.broadcast %broadcast_in_dim3A_48 : i32 to vector<2x1xi32>
    %slice3A_50 = vector.extract_strided_slice %add3A_47 {offsets = [0, 0], sizes = [30, 1], strides = [1, 1]} : vector<32x1xi32> to vector<30x1xi32>
    %concatenate3A_51 = tpu.concatenate %broadcast_in_dim3A_49, %slice3A_50 in 0 : vector<2x1xi32>, vector<30x1xi32> -> vector<32x1xi32>
    %add3A_52 = arith.addi %add3A_47, %concatenate3A_51 : vector<32x1xi32>
    %broadcast_in_dim3A_53 = arith.constant 0 : i32
    %broadcast_in_dim3A_54 = vector.broadcast %broadcast_in_dim3A_53 : i32 to vector<4x1xi32>
    %slice3A_55 = vector.extract_strided_slice %add3A_52 {offsets = [0, 0], sizes = [28, 1], strides = [1, 1]} : vector<32x1xi32> to vector<28x1xi32>
    %concatenate3A_56 = tpu.concatenate %broadcast_in_dim3A_54, %slice3A_55 in 0 : vector<4x1xi32>, vector<28x1xi32> -> vector<32x1xi32>
    %add3A_57 = arith.addi %add3A_52, %concatenate3A_56 : vector<32x1xi32>
    %broadcast_in_dim3A_58 = arith.constant 0 : i32
    %broadcast_in_dim3A_59 = vector.broadcast %broadcast_in_dim3A_58 : i32 to vector<8x1xi32>
    %slice3A_60 = vector.extract_strided_slice %add3A_57 {offsets = [0, 0], sizes = [24, 1], strides = [1, 1]} : vector<32x1xi32> to vector<24x1xi32>
    %concatenate3A_61 = tpu.concatenate %broadcast_in_dim3A_59, %slice3A_60 in 0 : vector<8x1xi32>, vector<24x1xi32> -> vector<32x1xi32>
    %add3A_62 = arith.addi %add3A_57, %concatenate3A_61 : vector<32x1xi32>
    %broadcast_in_dim3A_63 = arith.constant 0 : i32
    %broadcast_in_dim3A_64 = vector.broadcast %broadcast_in_dim3A_63 : i32 to vector<16x1xi32>
    %slice3A_65 = vector.extract_strided_slice %add3A_62 {offsets = [0, 0], sizes = [16, 1], strides = [1, 1]} : vector<32x1xi32> to vector<16x1xi32>
    %concatenate3A_66 = tpu.concatenate %broadcast_in_dim3A_64, %slice3A_65 in 0 : vector<16x1xi32>, vector<16x1xi32> -> vector<32x1xi32>
    %add3A_67 = arith.addi %add3A_62, %concatenate3A_66 : vector<32x1xi32>
    %sub3A = arith.subi %add3A_67, %slice3A_42 : vector<32x1xi32>
    %slice3A_68 = vector.extract_strided_slice %sub3A {offsets = [31, 0], sizes = [1, 1], strides = [1, 1]} : vector<32x1xi32> to vector<1x1xi32>
    %squeeze3A = vector.extract %slice3A_68[0, 0] : i32 from vector<1x1xi32>
    %slice3A_69 = vector.extract_strided_slice %slice3A_42 {offsets = [31, 0], sizes = [1, 1], strides = [1, 1]} : vector<32x1xi32> to vector<1x1xi32>
    %squeeze3A_70 = vector.extract %slice3A_69[0, 0] : i32 from vector<1x1xi32>
    %add3A_71 = arith.addi %squeeze3A, %squeeze3A_70 : i32
    %add3A_72 = arith.constant 256 : i32
    %add3A_73 = arith.addi %add3A_71, %add3A_72 : i32
    %sub3A_74 = arith.constant 1 : i32
    %sub3A_75 = arith.subi %add3A_73, %sub3A_74 : i32
    %jit3A = arith.constant 256 : i32
    %div3A = arith.divsi %sub3A_75, %jit3A : i32
    %sign3A = arith.constant 0 : i32
    %sign3A_76 = arith.cmpi sgt, %sub3A_75, %sign3A : i32
    %sign3A_77 = arith.extui %sign3A_76 : i1 to i32
    %sign3A_78 = arith.constant 0 : i32
    %sign3A_79 = arith.cmpi slt, %sub3A_75, %sign3A_78 : i32
    %sign3A_80 = arith.extui %sign3A_79 : i1 to i32
    %sign3A_81 = arith.subi %sign3A_77, %sign3A_80 : i32
    %sign3A_82 = arith.constant 0 : i32
    %sign3A_83 = arith.cmpi sgt, %jit3A, %sign3A_82 : i32
    %sign3A_84 = arith.extui %sign3A_83 : i1 to i32
    %sign3A_85 = arith.constant 0 : i32
    %sign3A_86 = arith.cmpi slt, %jit3A, %sign3A_85 : i32
    %sign3A_87 = arith.extui %sign3A_86 : i1 to i32
    %sign3A_88 = arith.subi %sign3A_84, %sign3A_87 : i32
    %ne3A = arith.cmpi ne, %sign3A_81, %sign3A_88 : i32
    %rem3A = arith.remsi %sub3A_75, %jit3A : i32
    %ne3A_89 = arith.constant 0 : i32
    %ne3A_90 = arith.cmpi ne, %rem3A, %ne3A_89 : i32
    %and3A = arith.andi %ne3A, %ne3A_90 : i1
    %sub3A_91 = arith.constant 1 : i32
    %sub3A_92 = arith.subi %div3A, %sub3A_91 : i32
    %select_n3A = arith.select %and3A, %sub3A_92, %div3A : i32
    %mul3A = arith.constant 0 : i32
    %mul3A_93 = arith.constant 256 : i32
    %mul3A_94 = arith.muli %mul3A, %mul3A_93 : i32
    %add3A_95 = vector.broadcast %sub3A : vector<32x1xi32> to vector<32x128xi32>
    %add3A_96 = arith.addi %add3A_95, %add3A_41 : vector<32x128xi32>
    %sub3A_97 = arith.constant 1 : i32
    %sub3A_98 = vector.broadcast %sub3A_97 : i32 to vector<32x128xi32>
    %sub3A_99 = arith.subi %add3A_96, %sub3A_98 : vector<32x128xi32>
    %add3A_100 = vector.broadcast %mul3A_94 : i32 to vector<32x128xi32>
    %add3A_101 = arith.addi %sub3A_99, %add3A_100 : vector<32x128xi32>
    %mul3A_102 = arith.muli %convert_element_type3A, %add3A_101 : vector<32x128xi32>
    %add3A_103 = arith.addi %broadcast_in_dim3A_2, %mul3A_102 : vector<32x128xi32>
    %eq3A_104 = arith.constant 0 : i32
    %eq3A_105 = vector.broadcast %eq3A_104 : i32 to vector<1x8xi32>
    %eq3A_106 = arith.cmpi eq, %iota3A, %eq3A_105 : vector<1x8xi32>
    %jit3A_107 = arith.constant 0 : i32
    %broadcast_in_dim3A_108 = vector.broadcast %add3A_71 : i32 to vector<1x8xi32>
    %broadcast_in_dim3A_109 = vector.broadcast %jit3A_107 : i32 to vector<1x8xi32>
    %select_n3A_110 = arith.select %eq3A_106, %broadcast_in_dim3A_108, %broadcast_in_dim3A_109 : vector<1x8xi1>, vector<1x8xi32>
    %add3A_111 = arith.addi %broadcast_in_dim3A_4, %select_n3A_110 : vector<1x8xi32>
    %ge3A = arith.constant 0 : i32
    %ge3A_112 = vector.broadcast %ge3A : i32 to vector<1x23xi32>
    %ge3A_113 = arith.cmpi sge, %iota3A_7, %ge3A_112 : vector<1x23xi32>
    %convert_element_type3A_114 = arith.extui %ge3A_113 : vector<1x23xi1> to vector<1x23xi32>
    %add3A_115 = arith.addi %broadcast_in_dim3A_6, %convert_element_type3A_114 : vector<1x23xi32>
    %add3A_116 = arith.constant 0 : i32
    %add3A_117 = arith.addi %add3A_116, %select_n3A : i32
    %eq3A_118 = arith.constant 1 : i32
    %eq3A_119 = vector.broadcast %eq3A_118 : i32 to vector<32x128xi32>
    %eq3A_120 = arith.cmpi eq, %get3A_1, %eq3A_119 : vector<32x128xi32>
    %convert_element_type3A_121 = arith.extui %eq3A_120 : vector<32x128xi1> to vector<32x128xi32>
    %broadcast_in_dim3A_122 = arith.constant 0 : i32
    %broadcast_in_dim3A_123 = vector.broadcast %broadcast_in_dim3A_122 : i32 to vector<32x1xi32>
    %slice3A_124 = vector.extract_strided_slice %convert_element_type3A_121 {offsets = [0, 0], sizes = [32, 127], strides = [1, 1]} : vector<32x128xi32> to vector<32x127xi32>
    %concatenate3A_125 = tpu.concatenate %broadcast_in_dim3A_123, %slice3A_124 in 1 : vector<32x1xi32>, vector<32x127xi32> -> vector<32x128xi32>
    %add3A_126 = arith.addi %convert_element_type3A_121, %concatenate3A_125 : vector<32x128xi32>
    %broadcast_in_dim3A_127 = arith.constant 0 : i32
    %broadcast_in_dim3A_128 = vector.broadcast %broadcast_in_dim3A_127 : i32 to vector<32x2xi32>
    %slice3A_129 = vector.extract_strided_slice %add3A_126 {offsets = [0, 0], sizes = [32, 126], strides = [1, 1]} : vector<32x128xi32> to vector<32x126xi32>
    %concatenate3A_130 = tpu.concatenate %broadcast_in_dim3A_128, %slice3A_129 in 1 : vector<32x2xi32>, vector<32x126xi32> -> vector<32x128xi32>
    %add3A_131 = arith.addi %add3A_126, %concatenate3A_130 : vector<32x128xi32>
    %broadcast_in_dim3A_132 = arith.constant 0 : i32
    %broadcast_in_dim3A_133 = vector.broadcast %broadcast_in_dim3A_132 : i32 to vector<32x4xi32>
    %slice3A_134 = vector.extract_strided_slice %add3A_131 {offsets = [0, 0], sizes = [32, 124], strides = [1, 1]} : vector<32x128xi32> to vector<32x124xi32>
    %concatenate3A_135 = tpu.concatenate %broadcast_in_dim3A_133, %slice3A_134 in 1 : vector<32x4xi32>, vector<32x124xi32> -> vector<32x128xi32>
    %add3A_136 = arith.addi %add3A_131, %concatenate3A_135 : vector<32x128xi32>
    %broadcast_in_dim3A_137 = arith.constant 0 : i32
    %broadcast_in_dim3A_138 = vector.broadcast %broadcast_in_dim3A_137 : i32 to vector<32x8xi32>
    %slice3A_139 = vector.extract_strided_slice %add3A_136 {offsets = [0, 0], sizes = [32, 120], strides = [1, 1]} : vector<32x128xi32> to vector<32x120xi32>
    %concatenate3A_140 = tpu.concatenate %broadcast_in_dim3A_138, %slice3A_139 in 1 : vector<32x8xi32>, vector<32x120xi32> -> vector<32x128xi32>
    %add3A_141 = arith.addi %add3A_136, %concatenate3A_140 : vector<32x128xi32>
    %broadcast_in_dim3A_142 = arith.constant 0 : i32
    %broadcast_in_dim3A_143 = vector.broadcast %broadcast_in_dim3A_142 : i32 to vector<32x16xi32>
    %slice3A_144 = vector.extract_strided_slice %add3A_141 {offsets = [0, 0], sizes = [32, 112], strides = [1, 1]} : vector<32x128xi32> to vector<32x112xi32>
    %concatenate3A_145 = tpu.concatenate %broadcast_in_dim3A_143, %slice3A_144 in 1 : vector<32x16xi32>, vector<32x112xi32> -> vector<32x128xi32>
    %add3A_146 = arith.addi %add3A_141, %concatenate3A_145 : vector<32x128xi32>
    %broadcast_in_dim3A_147 = arith.constant 0 : i32
    %broadcast_in_dim3A_148 = vector.broadcast %broadcast_in_dim3A_147 : i32 to vector<32x32xi32>
    %slice3A_149 = vector.extract_strided_slice %add3A_146 {offsets = [0, 0], sizes = [32, 96], strides = [1, 1]} : vector<32x128xi32> to vector<32x96xi32>
    %concatenate3A_150 = tpu.concatenate %broadcast_in_dim3A_148, %slice3A_149 in 1 : vector<32x32xi32>, vector<32x96xi32> -> vector<32x128xi32>
    %add3A_151 = arith.addi %add3A_146, %concatenate3A_150 : vector<32x128xi32>
    %broadcast_in_dim3A_152 = arith.constant 0 : i32
    %broadcast_in_dim3A_153 = vector.broadcast %broadcast_in_dim3A_152 : i32 to vector<32x64xi32>
    %slice3A_154 = vector.extract_strided_slice %add3A_151 {offsets = [0, 0], sizes = [32, 64], strides = [1, 1]} : vector<32x128xi32> to vector<32x64xi32>
    %concatenate3A_155 = tpu.concatenate %broadcast_in_dim3A_153, %slice3A_154 in 1 : vector<32x64xi32>, vector<32x64xi32> -> vector<32x128xi32>
    %add3A_156 = arith.addi %add3A_151, %concatenate3A_155 : vector<32x128xi32>
    %slice3A_157 = vector.extract_strided_slice %add3A_156 {offsets = [0, 127], sizes = [32, 1], strides = [1, 1]} : vector<32x128xi32> to vector<32x1xi32>
    %broadcast_in_dim3A_158 = arith.constant 0 : i32
    %broadcast_in_dim3A_159 = vector.broadcast %broadcast_in_dim3A_158 : i32 to vector<1x1xi32>
    %slice3A_160 = vector.extract_strided_slice %slice3A_157 {offsets = [0, 0], sizes = [31, 1], strides = [1, 1]} : vector<32x1xi32> to vector<31x1xi32>
    %concatenate3A_161 = tpu.concatenate %broadcast_in_dim3A_159, %slice3A_160 in 0 : vector<1x1xi32>, vector<31x1xi32> -> vector<32x1xi32>
    %add3A_162 = arith.addi %slice3A_157, %concatenate3A_161 : vector<32x1xi32>
    %broadcast_in_dim3A_163 = arith.constant 0 : i32
    %broadcast_in_dim3A_164 = vector.broadcast %broadcast_in_dim3A_163 : i32 to vector<2x1xi32>
    %slice3A_165 = vector.extract_strided_slice %add3A_162 {offsets = [0, 0], sizes = [30, 1], strides = [1, 1]} : vector<32x1xi32> to vector<30x1xi32>
    %concatenate3A_166 = tpu.concatenate %broadcast_in_dim3A_164, %slice3A_165 in 0 : vector<2x1xi32>, vector<30x1xi32> -> vector<32x1xi32>
    %add3A_167 = arith.addi %add3A_162, %concatenate3A_166 : vector<32x1xi32>
    %broadcast_in_dim3A_168 = arith.constant 0 : i32
    %broadcast_in_dim3A_169 = vector.broadcast %broadcast_in_dim3A_168 : i32 to vector<4x1xi32>
    %slice3A_170 = vector.extract_strided_slice %add3A_167 {offsets = [0, 0], sizes = [28, 1], strides = [1, 1]} : vector<32x1xi32> to vector<28x1xi32>
    %concatenate3A_171 = tpu.concatenate %broadcast_in_dim3A_169, %slice3A_170 in 0 : vector<4x1xi32>, vector<28x1xi32> -> vector<32x1xi32>
    %add3A_172 = arith.addi %add3A_167, %concatenate3A_171 : vector<32x1xi32>
    %broadcast_in_dim3A_173 = arith.constant 0 : i32
    %broadcast_in_dim3A_174 = vector.broadcast %broadcast_in_dim3A_173 : i32 to vector<8x1xi32>
    %slice3A_175 = vector.extract_strided_slice %add3A_172 {offsets = [0, 0], sizes = [24, 1], strides = [1, 1]} : vector<32x1xi32> to vector<24x1xi32>
    %concatenate3A_176 = tpu.concatenate %broadcast_in_dim3A_174, %slice3A_175 in 0 : vector<8x1xi32>, vector<24x1xi32> -> vector<32x1xi32>
    %add3A_177 = arith.addi %add3A_172, %concatenate3A_176 : vector<32x1xi32>
    %broadcast_in_dim3A_178 = arith.constant 0 : i32
    %broadcast_in_dim3A_179 = vector.broadcast %broadcast_in_dim3A_178 : i32 to vector<16x1xi32>
    %slice3A_180 = vector.extract_strided_slice %add3A_177 {offsets = [0, 0], sizes = [16, 1], strides = [1, 1]} : vector<32x1xi32> to vector<16x1xi32>
    %concatenate3A_181 = tpu.concatenate %broadcast_in_dim3A_179, %slice3A_180 in 0 : vector<16x1xi32>, vector<16x1xi32> -> vector<32x1xi32>
    %add3A_182 = arith.addi %add3A_177, %concatenate3A_181 : vector<32x1xi32>
    %sub3A_183 = arith.subi %add3A_182, %slice3A_157 : vector<32x1xi32>
    %slice3A_184 = vector.extract_strided_slice %sub3A_183 {offsets = [31, 0], sizes = [1, 1], strides = [1, 1]} : vector<32x1xi32> to vector<1x1xi32>
    %squeeze3A_185 = vector.extract %slice3A_184[0, 0] : i32 from vector<1x1xi32>
    %slice3A_186 = vector.extract_strided_slice %slice3A_157 {offsets = [31, 0], sizes = [1, 1], strides = [1, 1]} : vector<32x1xi32> to vector<1x1xi32>
    %squeeze3A_187 = vector.extract %slice3A_186[0, 0] : i32 from vector<1x1xi32>
    %add3A_188 = arith.addi %squeeze3A_185, %squeeze3A_187 : i32
    %add3A_189 = arith.constant 256 : i32
    %add3A_190 = arith.addi %add3A_188, %add3A_189 : i32
    %sub3A_191 = arith.constant 1 : i32
    %sub3A_192 = arith.subi %add3A_190, %sub3A_191 : i32
    %jit3A_193 = arith.constant 256 : i32
    %div3A_194 = arith.divsi %sub3A_192, %jit3A_193 : i32
    %sign3A_195 = arith.constant 0 : i32
    %sign3A_196 = arith.cmpi sgt, %sub3A_192, %sign3A_195 : i32
    %sign3A_197 = arith.extui %sign3A_196 : i1 to i32
    %sign3A_198 = arith.constant 0 : i32
    %sign3A_199 = arith.cmpi slt, %sub3A_192, %sign3A_198 : i32
    %sign3A_200 = arith.extui %sign3A_199 : i1 to i32
    %sign3A_201 = arith.subi %sign3A_197, %sign3A_200 : i32
    %sign3A_202 = arith.constant 0 : i32
    %sign3A_203 = arith.cmpi sgt, %jit3A_193, %sign3A_202 : i32
    %sign3A_204 = arith.extui %sign3A_203 : i1 to i32
    %sign3A_205 = arith.constant 0 : i32
    %sign3A_206 = arith.cmpi slt, %jit3A_193, %sign3A_205 : i32
    %sign3A_207 = arith.extui %sign3A_206 : i1 to i32
    %sign3A_208 = arith.subi %sign3A_204, %sign3A_207 : i32
    %ne3A_209 = arith.cmpi ne, %sign3A_201, %sign3A_208 : i32
    %rem3A_210 = arith.remsi %sub3A_192, %jit3A_193 : i32
    %ne3A_211 = arith.constant 0 : i32
    %ne3A_212 = arith.cmpi ne, %rem3A_210, %ne3A_211 : i32
    %and3A_213 = arith.andi %ne3A_209, %ne3A_212 : i1
    %sub3A_214 = arith.constant 1 : i32
    %sub3A_215 = arith.subi %div3A_194, %sub3A_214 : i32
    %select_n3A_216 = arith.select %and3A_213, %sub3A_215, %div3A_194 : i32
    %mul3A_217 = arith.constant 256 : i32
    %mul3A_218 = arith.muli %add3A_117, %mul3A_217 : i32
    %add3A_219 = vector.broadcast %sub3A_183 : vector<32x1xi32> to vector<32x128xi32>
    %add3A_220 = arith.addi %add3A_219, %add3A_156 : vector<32x128xi32>
    %sub3A_221 = arith.constant 1 : i32
    %sub3A_222 = vector.broadcast %sub3A_221 : i32 to vector<32x128xi32>
    %sub3A_223 = arith.subi %add3A_220, %sub3A_222 : vector<32x128xi32>
    %add3A_224 = vector.broadcast %mul3A_218 : i32 to vector<32x128xi32>
    %add3A_225 = arith.addi %sub3A_223, %add3A_224 : vector<32x128xi32>
    %mul3A_226 = arith.muli %convert_element_type3A_121, %add3A_225 : vector<32x128xi32>
    %add3A_227 = arith.addi %add3A_103, %mul3A_226 : vector<32x128xi32>
    %eq3A_228 = arith.constant 1 : i32
    %eq3A_229 = vector.broadcast %eq3A_228 : i32 to vector<1x8xi32>
    %eq3A_230 = arith.cmpi eq, %iota3A, %eq3A_229 : vector<1x8xi32>
    %jit3A_231 = arith.constant 0 : i32
    %broadcast_in_dim3A_232 = vector.broadcast %add3A_188 : i32 to vector<1x8xi32>
    %broadcast_in_dim3A_233 = vector.broadcast %jit3A_231 : i32 to vector<1x8xi32>
    %select_n3A_234 = arith.select %eq3A_230, %broadcast_in_dim3A_232, %broadcast_in_dim3A_233 : vector<1x8xi1>, vector<1x8xi32>
    %add3A_235 = arith.addi %add3A_111, %select_n3A_234 : vector<1x8xi32>
    %ge3A_236 = vector.broadcast %add3A_117 : i32 to vector<1x23xi32>
    %ge3A_237 = arith.cmpi sge, %iota3A_7, %ge3A_236 : vector<1x23xi32>
    %convert_element_type3A_238 = arith.extui %ge3A_237 : vector<1x23xi1> to vector<1x23xi32>
    %add3A_239 = arith.addi %add3A_115, %convert_element_type3A_238 : vector<1x23xi32>
    %add3A_240 = arith.addi %add3A_117, %select_n3A_216 : i32
    %eq3A_241 = arith.constant 2 : i32
    %eq3A_242 = vector.broadcast %eq3A_241 : i32 to vector<32x128xi32>
    %eq3A_243 = arith.cmpi eq, %get3A_1, %eq3A_242 : vector<32x128xi32>
    %convert_element_type3A_244 = arith.extui %eq3A_243 : vector<32x128xi1> to vector<32x128xi32>
    %broadcast_in_dim3A_245 = arith.constant 0 : i32
    %broadcast_in_dim3A_246 = vector.broadcast %broadcast_in_dim3A_245 : i32 to vector<32x1xi32>
    %slice3A_247 = vector.extract_strided_slice %convert_element_type3A_244 {offsets = [0, 0], sizes = [32, 127], strides = [1, 1]} : vector<32x128xi32> to vector<32x127xi32>
    %concatenate3A_248 = tpu.concatenate %broadcast_in_dim3A_246, %slice3A_247 in 1 : vector<32x1xi32>, vector<32x127xi32> -> vector<32x128xi32>
    %add3A_249 = arith.addi %convert_element_type3A_244, %concatenate3A_248 : vector<32x128xi32>
    %broadcast_in_dim3A_250 = arith.constant 0 : i32
    %broadcast_in_dim3A_251 = vector.broadcast %broadcast_in_dim3A_250 : i32 to vector<32x2xi32>
    %slice3A_252 = vector.extract_strided_slice %add3A_249 {offsets = [0, 0], sizes = [32, 126], strides = [1, 1]} : vector<32x128xi32> to vector<32x126xi32>
    %concatenate3A_253 = tpu.concatenate %broadcast_in_dim3A_251, %slice3A_252 in 1 : vector<32x2xi32>, vector<32x126xi32> -> vector<32x128xi32>
    %add3A_254 = arith.addi %add3A_249, %concatenate3A_253 : vector<32x128xi32>
    %broadcast_in_dim3A_255 = arith.constant 0 : i32
    %broadcast_in_dim3A_256 = vector.broadcast %broadcast_in_dim3A_255 : i32 to vector<32x4xi32>
    %slice3A_257 = vector.extract_strided_slice %add3A_254 {offsets = [0, 0], sizes = [32, 124], strides = [1, 1]} : vector<32x128xi32> to vector<32x124xi32>
    %concatenate3A_258 = tpu.concatenate %broadcast_in_dim3A_256, %slice3A_257 in 1 : vector<32x4xi32>, vector<32x124xi32> -> vector<32x128xi32>
    %add3A_259 = arith.addi %add3A_254, %concatenate3A_258 : vector<32x128xi32>
    %broadcast_in_dim3A_260 = arith.constant 0 : i32
    %broadcast_in_dim3A_261 = vector.broadcast %broadcast_in_dim3A_260 : i32 to vector<32x8xi32>
    %slice3A_262 = vector.extract_strided_slice %add3A_259 {offsets = [0, 0], sizes = [32, 120], strides = [1, 1]} : vector<32x128xi32> to vector<32x120xi32>
    %concatenate3A_263 = tpu.concatenate %broadcast_in_dim3A_261, %slice3A_262 in 1 : vector<32x8xi32>, vector<32x120xi32> -> vector<32x128xi32>
    %add3A_264 = arith.addi %add3A_259, %concatenate3A_263 : vector<32x128xi32>
    %broadcast_in_dim3A_265 = arith.constant 0 : i32
    %broadcast_in_dim3A_266 = vector.broadcast %broadcast_in_dim3A_265 : i32 to vector<32x16xi32>
    %slice3A_267 = vector.extract_strided_slice %add3A_264 {offsets = [0, 0], sizes = [32, 112], strides = [1, 1]} : vector<32x128xi32> to vector<32x112xi32>
    %concatenate3A_268 = tpu.concatenate %broadcast_in_dim3A_266, %slice3A_267 in 1 : vector<32x16xi32>, vector<32x112xi32> -> vector<32x128xi32>
    %add3A_269 = arith.addi %add3A_264, %concatenate3A_268 : vector<32x128xi32>
    %broadcast_in_dim3A_270 = arith.constant 0 : i32
    %broadcast_in_dim3A_271 = vector.broadcast %broadcast_in_dim3A_270 : i32 to vector<32x32xi32>
    %slice3A_272 = vector.extract_strided_slice %add3A_269 {offsets = [0, 0], sizes = [32, 96], strides = [1, 1]} : vector<32x128xi32> to vector<32x96xi32>
    %concatenate3A_273 = tpu.concatenate %broadcast_in_dim3A_271, %slice3A_272 in 1 : vector<32x32xi32>, vector<32x96xi32> -> vector<32x128xi32>
    %add3A_274 = arith.addi %add3A_269, %concatenate3A_273 : vector<32x128xi32>
    %broadcast_in_dim3A_275 = arith.constant 0 : i32
    %broadcast_in_dim3A_276 = vector.broadcast %broadcast_in_dim3A_275 : i32 to vector<32x64xi32>
    %slice3A_277 = vector.extract_strided_slice %add3A_274 {offsets = [0, 0], sizes = [32, 64], strides = [1, 1]} : vector<32x128xi32> to vector<32x64xi32>
    %concatenate3A_278 = tpu.concatenate %broadcast_in_dim3A_276, %slice3A_277 in 1 : vector<32x64xi32>, vector<32x64xi32> -> vector<32x128xi32>
    %add3A_279 = arith.addi %add3A_274, %concatenate3A_278 : vector<32x128xi32>
    %slice3A_280 = vector.extract_strided_slice %add3A_279 {offsets = [0, 127], sizes = [32, 1], strides = [1, 1]} : vector<32x128xi32> to vector<32x1xi32>
    %broadcast_in_dim3A_281 = arith.constant 0 : i32
    %broadcast_in_dim3A_282 = vector.broadcast %broadcast_in_dim3A_281 : i32 to vector<1x1xi32>
    %slice3A_283 = vector.extract_strided_slice %slice3A_280 {offsets = [0, 0], sizes = [31, 1], strides = [1, 1]} : vector<32x1xi32> to vector<31x1xi32>
    %concatenate3A_284 = tpu.concatenate %broadcast_in_dim3A_282, %slice3A_283 in 0 : vector<1x1xi32>, vector<31x1xi32> -> vector<32x1xi32>
    %add3A_285 = arith.addi %slice3A_280, %concatenate3A_284 : vector<32x1xi32>
    %broadcast_in_dim3A_286 = arith.constant 0 : i32
    %broadcast_in_dim3A_287 = vector.broadcast %broadcast_in_dim3A_286 : i32 to vector<2x1xi32>
    %slice3A_288 = vector.extract_strided_slice %add3A_285 {offsets = [0, 0], sizes = [30, 1], strides = [1, 1]} : vector<32x1xi32> to vector<30x1xi32>
    %concatenate3A_289 = tpu.concatenate %broadcast_in_dim3A_287, %slice3A_288 in 0 : vector<2x1xi32>, vector<30x1xi32> -> vector<32x1xi32>
    %add3A_290 = arith.addi %add3A_285, %concatenate3A_289 : vector<32x1xi32>
    %broadcast_in_dim3A_291 = arith.constant 0 : i32
    %broadcast_in_dim3A_292 = vector.broadcast %broadcast_in_dim3A_291 : i32 to vector<4x1xi32>
    %slice3A_293 = vector.extract_strided_slice %add3A_290 {offsets = [0, 0], sizes = [28, 1], strides = [1, 1]} : vector<32x1xi32> to vector<28x1xi32>
    %concatenate3A_294 = tpu.concatenate %broadcast_in_dim3A_292, %slice3A_293 in 0 : vector<4x1xi32>, vector<28x1xi32> -> vector<32x1xi32>
    %add3A_295 = arith.addi %add3A_290, %concatenate3A_294 : vector<32x1xi32>
    %broadcast_in_dim3A_296 = arith.constant 0 : i32
    %broadcast_in_dim3A_297 = vector.broadcast %broadcast_in_dim3A_296 : i32 to vector<8x1xi32>
    %slice3A_298 = vector.extract_strided_slice %add3A_295 {offsets = [0, 0], sizes = [24, 1], strides = [1, 1]} : vector<32x1xi32> to vector<24x1xi32>
    %concatenate3A_299 = tpu.concatenate %broadcast_in_dim3A_297, %slice3A_298 in 0 : vector<8x1xi32>, vector<24x1xi32> -> vector<32x1xi32>
    %add3A_300 = arith.addi %add3A_295, %concatenate3A_299 : vector<32x1xi32>
    %broadcast_in_dim3A_301 = arith.constant 0 : i32
    %broadcast_in_dim3A_302 = vector.broadcast %broadcast_in_dim3A_301 : i32 to vector<16x1xi32>
    %slice3A_303 = vector.extract_strided_slice %add3A_300 {offsets = [0, 0], sizes = [16, 1], strides = [1, 1]} : vector<32x1xi32> to vector<16x1xi32>
    %concatenate3A_304 = tpu.concatenate %broadcast_in_dim3A_302, %slice3A_303 in 0 : vector<16x1xi32>, vector<16x1xi32> -> vector<32x1xi32>
    %add3A_305 = arith.addi %add3A_300, %concatenate3A_304 : vector<32x1xi32>
    %sub3A_306 = arith.subi %add3A_305, %slice3A_280 : vector<32x1xi32>
    %slice3A_307 = vector.extract_strided_slice %sub3A_306 {offsets = [31, 0], sizes = [1, 1], strides = [1, 1]} : vector<32x1xi32> to vector<1x1xi32>
    %squeeze3A_308 = vector.extract %slice3A_307[0, 0] : i32 from vector<1x1xi32>
    %slice3A_309 = vector.extract_strided_slice %slice3A_280 {offsets = [31, 0], sizes = [1, 1], strides = [1, 1]} : vector<32x1xi32> to vector<1x1xi32>
    %squeeze3A_310 = vector.extract %slice3A_309[0, 0] : i32 from vector<1x1xi32>
    %add3A_311 = arith.addi %squeeze3A_308, %squeeze3A_310 : i32
    %add3A_312 = arith.constant 256 : i32
    %add3A_313 = arith.addi %add3A_311, %add3A_312 : i32
    %sub3A_314 = arith.constant 1 : i32
    %sub3A_315 = arith.subi %add3A_313, %sub3A_314 : i32
    %jit3A_316 = arith.constant 256 : i32
    %div3A_317 = arith.divsi %sub3A_315, %jit3A_316 : i32
    %sign3A_318 = arith.constant 0 : i32
    %sign3A_319 = arith.cmpi sgt, %sub3A_315, %sign3A_318 : i32
    %sign3A_320 = arith.extui %sign3A_319 : i1 to i32
    %sign3A_321 = arith.constant 0 : i32
    %sign3A_322 = arith.cmpi slt, %sub3A_315, %sign3A_321 : i32
    %sign3A_323 = arith.extui %sign3A_322 : i1 to i32
    %sign3A_324 = arith.subi %sign3A_320, %sign3A_323 : i32
    %sign3A_325 = arith.constant 0 : i32
    %sign3A_326 = arith.cmpi sgt, %jit3A_316, %sign3A_325 : i32
    %sign3A_327 = arith.extui %sign3A_326 : i1 to i32
    %sign3A_328 = arith.constant 0 : i32
    %sign3A_329 = arith.cmpi slt, %jit3A_316, %sign3A_328 : i32
    %sign3A_330 = arith.extui %sign3A_329 : i1 to i32
    %sign3A_331 = arith.subi %sign3A_327, %sign3A_330 : i32
    %ne3A_332 = arith.cmpi ne, %sign3A_324, %sign3A_331 : i32
    %rem3A_333 = arith.remsi %sub3A_315, %jit3A_316 : i32
    %ne3A_334 = arith.constant 0 : i32
    %ne3A_335 = arith.cmpi ne, %rem3A_333, %ne3A_334 : i32
    %and3A_336 = arith.andi %ne3A_332, %ne3A_335 : i1
    %sub3A_337 = arith.constant 1 : i32
    %sub3A_338 = arith.subi %div3A_317, %sub3A_337 : i32
    %select_n3A_339 = arith.select %and3A_336, %sub3A_338, %div3A_317 : i32
    %mul3A_340 = arith.constant 256 : i32
    %mul3A_341 = arith.muli %add3A_240, %mul3A_340 : i32
    %add3A_342 = vector.broadcast %sub3A_306 : vector<32x1xi32> to vector<32x128xi32>
    %add3A_343 = arith.addi %add3A_342, %add3A_279 : vector<32x128xi32>
    %sub3A_344 = arith.constant 1 : i32
    %sub3A_345 = vector.broadcast %sub3A_344 : i32 to vector<32x128xi32>
    %sub3A_346 = arith.subi %add3A_343, %sub3A_345 : vector<32x128xi32>
    %add3A_347 = vector.broadcast %mul3A_341 : i32 to vector<32x128xi32>
    %add3A_348 = arith.addi %sub3A_346, %add3A_347 : vector<32x128xi32>
    %mul3A_349 = arith.muli %convert_element_type3A_244, %add3A_348 : vector<32x128xi32>
    %add3A_350 = arith.addi %add3A_227, %mul3A_349 : vector<32x128xi32>
    %eq3A_351 = arith.constant 2 : i32
    %eq3A_352 = vector.broadcast %eq3A_351 : i32 to vector<1x8xi32>
    %eq3A_353 = arith.cmpi eq, %iota3A, %eq3A_352 : vector<1x8xi32>
    %jit3A_354 = arith.constant 0 : i32
    %broadcast_in_dim3A_355 = vector.broadcast %add3A_311 : i32 to vector<1x8xi32>
    %broadcast_in_dim3A_356 = vector.broadcast %jit3A_354 : i32 to vector<1x8xi32>
    %select_n3A_357 = arith.select %eq3A_353, %broadcast_in_dim3A_355, %broadcast_in_dim3A_356 : vector<1x8xi1>, vector<1x8xi32>
    %add3A_358 = arith.addi %add3A_235, %select_n3A_357 : vector<1x8xi32>
    %ge3A_359 = vector.broadcast %add3A_240 : i32 to vector<1x23xi32>
    %ge3A_360 = arith.cmpi sge, %iota3A_7, %ge3A_359 : vector<1x23xi32>
    %convert_element_type3A_361 = arith.extui %ge3A_360 : vector<1x23xi1> to vector<1x23xi32>
    %add3A_362 = arith.addi %add3A_239, %convert_element_type3A_361 : vector<1x23xi32>
    %add3A_363 = arith.addi %add3A_240, %select_n3A_339 : i32
    %eq3A_364 = arith.constant 3 : i32
    %eq3A_365 = vector.broadcast %eq3A_364 : i32 to vector<32x128xi32>
    %eq3A_366 = arith.cmpi eq, %get3A_1, %eq3A_365 : vector<32x128xi32>
    %convert_element_type3A_367 = arith.extui %eq3A_366 : vector<32x128xi1> to vector<32x128xi32>
    %broadcast_in_dim3A_368 = arith.constant 0 : i32
    %broadcast_in_dim3A_369 = vector.broadcast %broadcast_in_dim3A_368 : i32 to vector<32x1xi32>
    %slice3A_370 = vector.extract_strided_slice %convert_element_type3A_367 {offsets = [0, 0], sizes = [32, 127], strides = [1, 1]} : vector<32x128xi32> to vector<32x127xi32>
    %concatenate3A_371 = tpu.concatenate %broadcast_in_dim3A_369, %slice3A_370 in 1 : vector<32x1xi32>, vector<32x127xi32> -> vector<32x128xi32>
    %add3A_372 = arith.addi %convert_element_type3A_367, %concatenate3A_371 : vector<32x128xi32>
    %broadcast_in_dim3A_373 = arith.constant 0 : i32
    %broadcast_in_dim3A_374 = vector.broadcast %broadcast_in_dim3A_373 : i32 to vector<32x2xi32>
    %slice3A_375 = vector.extract_strided_slice %add3A_372 {offsets = [0, 0], sizes = [32, 126], strides = [1, 1]} : vector<32x128xi32> to vector<32x126xi32>
    %concatenate3A_376 = tpu.concatenate %broadcast_in_dim3A_374, %slice3A_375 in 1 : vector<32x2xi32>, vector<32x126xi32> -> vector<32x128xi32>
    %add3A_377 = arith.addi %add3A_372, %concatenate3A_376 : vector<32x128xi32>
    %broadcast_in_dim3A_378 = arith.constant 0 : i32
    %broadcast_in_dim3A_379 = vector.broadcast %broadcast_in_dim3A_378 : i32 to vector<32x4xi32>
    %slice3A_380 = vector.extract_strided_slice %add3A_377 {offsets = [0, 0], sizes = [32, 124], strides = [1, 1]} : vector<32x128xi32> to vector<32x124xi32>
    %concatenate3A_381 = tpu.concatenate %broadcast_in_dim3A_379, %slice3A_380 in 1 : vector<32x4xi32>, vector<32x124xi32> -> vector<32x128xi32>
    %add3A_382 = arith.addi %add3A_377, %concatenate3A_381 : vector<32x128xi32>
    %broadcast_in_dim3A_383 = arith.constant 0 : i32
    %broadcast_in_dim3A_384 = vector.broadcast %broadcast_in_dim3A_383 : i32 to vector<32x8xi32>
    %slice3A_385 = vector.extract_strided_slice %add3A_382 {offsets = [0, 0], sizes = [32, 120], strides = [1, 1]} : vector<32x128xi32> to vector<32x120xi32>
    %concatenate3A_386 = tpu.concatenate %broadcast_in_dim3A_384, %slice3A_385 in 1 : vector<32x8xi32>, vector<32x120xi32> -> vector<32x128xi32>
    %add3A_387 = arith.addi %add3A_382, %concatenate3A_386 : vector<32x128xi32>
    %broadcast_in_dim3A_388 = arith.constant 0 : i32
    %broadcast_in_dim3A_389 = vector.broadcast %broadcast_in_dim3A_388 : i32 to vector<32x16xi32>
    %slice3A_390 = vector.extract_strided_slice %add3A_387 {offsets = [0, 0], sizes = [32, 112], strides = [1, 1]} : vector<32x128xi32> to vector<32x112xi32>
    %concatenate3A_391 = tpu.concatenate %broadcast_in_dim3A_389, %slice3A_390 in 1 : vector<32x16xi32>, vector<32x112xi32> -> vector<32x128xi32>
    %add3A_392 = arith.addi %add3A_387, %concatenate3A_391 : vector<32x128xi32>
    %broadcast_in_dim3A_393 = arith.constant 0 : i32
    %broadcast_in_dim3A_394 = vector.broadcast %broadcast_in_dim3A_393 : i32 to vector<32x32xi32>
    %slice3A_395 = vector.extract_strided_slice %add3A_392 {offsets = [0, 0], sizes = [32, 96], strides = [1, 1]} : vector<32x128xi32> to vector<32x96xi32>
    %concatenate3A_396 = tpu.concatenate %broadcast_in_dim3A_394, %slice3A_395 in 1 : vector<32x32xi32>, vector<32x96xi32> -> vector<32x128xi32>
    %add3A_397 = arith.addi %add3A_392, %concatenate3A_396 : vector<32x128xi32>
    %broadcast_in_dim3A_398 = arith.constant 0 : i32
    %broadcast_in_dim3A_399 = vector.broadcast %broadcast_in_dim3A_398 : i32 to vector<32x64xi32>
    %slice3A_400 = vector.extract_strided_slice %add3A_397 {offsets = [0, 0], sizes = [32, 64], strides = [1, 1]} : vector<32x128xi32> to vector<32x64xi32>
    %concatenate3A_401 = tpu.concatenate %broadcast_in_dim3A_399, %slice3A_400 in 1 : vector<32x64xi32>, vector<32x64xi32> -> vector<32x128xi32>
    %add3A_402 = arith.addi %add3A_397, %concatenate3A_401 : vector<32x128xi32>
    %slice3A_403 = vector.extract_strided_slice %add3A_402 {offsets = [0, 127], sizes = [32, 1], strides = [1, 1]} : vector<32x128xi32> to vector<32x1xi32>
    %broadcast_in_dim3A_404 = arith.constant 0 : i32
    %broadcast_in_dim3A_405 = vector.broadcast %broadcast_in_dim3A_404 : i32 to vector<1x1xi32>
    %slice3A_406 = vector.extract_strided_slice %slice3A_403 {offsets = [0, 0], sizes = [31, 1], strides = [1, 1]} : vector<32x1xi32> to vector<31x1xi32>
    %concatenate3A_407 = tpu.concatenate %broadcast_in_dim3A_405, %slice3A_406 in 0 : vector<1x1xi32>, vector<31x1xi32> -> vector<32x1xi32>
    %add3A_408 = arith.addi %slice3A_403, %concatenate3A_407 : vector<32x1xi32>
    %broadcast_in_dim3A_409 = arith.constant 0 : i32
    %broadcast_in_dim3A_410 = vector.broadcast %broadcast_in_dim3A_409 : i32 to vector<2x1xi32>
    %slice3A_411 = vector.extract_strided_slice %add3A_408 {offsets = [0, 0], sizes = [30, 1], strides = [1, 1]} : vector<32x1xi32> to vector<30x1xi32>
    %concatenate3A_412 = tpu.concatenate %broadcast_in_dim3A_410, %slice3A_411 in 0 : vector<2x1xi32>, vector<30x1xi32> -> vector<32x1xi32>
    %add3A_413 = arith.addi %add3A_408, %concatenate3A_412 : vector<32x1xi32>
    %broadcast_in_dim3A_414 = arith.constant 0 : i32
    %broadcast_in_dim3A_415 = vector.broadcast %broadcast_in_dim3A_414 : i32 to vector<4x1xi32>
    %slice3A_416 = vector.extract_strided_slice %add3A_413 {offsets = [0, 0], sizes = [28, 1], strides = [1, 1]} : vector<32x1xi32> to vector<28x1xi32>
    %concatenate3A_417 = tpu.concatenate %broadcast_in_dim3A_415, %slice3A_416 in 0 : vector<4x1xi32>, vector<28x1xi32> -> vector<32x1xi32>
    %add3A_418 = arith.addi %add3A_413, %concatenate3A_417 : vector<32x1xi32>
    %broadcast_in_dim3A_419 = arith.constant 0 : i32
    %broadcast_in_dim3A_420 = vector.broadcast %broadcast_in_dim3A_419 : i32 to vector<8x1xi32>
    %slice3A_421 = vector.extract_strided_slice %add3A_418 {offsets = [0, 0], sizes = [24, 1], strides = [1, 1]} : vector<32x1xi32> to vector<24x1xi32>
    %concatenate3A_422 = tpu.concatenate %broadcast_in_dim3A_420, %slice3A_421 in 0 : vector<8x1xi32>, vector<24x1xi32> -> vector<32x1xi32>
    %add3A_423 = arith.addi %add3A_418, %concatenate3A_422 : vector<32x1xi32>
    %broadcast_in_dim3A_424 = arith.constant 0 : i32
    %broadcast_in_dim3A_425 = vector.broadcast %broadcast_in_dim3A_424 : i32 to vector<16x1xi32>
    %slice3A_426 = vector.extract_strided_slice %add3A_423 {offsets = [0, 0], sizes = [16, 1], strides = [1, 1]} : vector<32x1xi32> to vector<16x1xi32>
    %concatenate3A_427 = tpu.concatenate %broadcast_in_dim3A_425, %slice3A_426 in 0 : vector<16x1xi32>, vector<16x1xi32> -> vector<32x1xi32>
    %add3A_428 = arith.addi %add3A_423, %concatenate3A_427 : vector<32x1xi32>
    %sub3A_429 = arith.subi %add3A_428, %slice3A_403 : vector<32x1xi32>
    %slice3A_430 = vector.extract_strided_slice %sub3A_429 {offsets = [31, 0], sizes = [1, 1], strides = [1, 1]} : vector<32x1xi32> to vector<1x1xi32>
    %squeeze3A_431 = vector.extract %slice3A_430[0, 0] : i32 from vector<1x1xi32>
    %slice3A_432 = vector.extract_strided_slice %slice3A_403 {offsets = [31, 0], sizes = [1, 1], strides = [1, 1]} : vector<32x1xi32> to vector<1x1xi32>
    %squeeze3A_433 = vector.extract %slice3A_432[0, 0] : i32 from vector<1x1xi32>
    %add3A_434 = arith.addi %squeeze3A_431, %squeeze3A_433 : i32
    %add3A_435 = arith.constant 256 : i32
    %add3A_436 = arith.addi %add3A_434, %add3A_435 : i32
    %sub3A_437 = arith.constant 1 : i32
    %sub3A_438 = arith.subi %add3A_436, %sub3A_437 : i32
    %jit3A_439 = arith.constant 256 : i32
    %div3A_440 = arith.divsi %sub3A_438, %jit3A_439 : i32
    %sign3A_441 = arith.constant 0 : i32
    %sign3A_442 = arith.cmpi sgt, %sub3A_438, %sign3A_441 : i32
    %sign3A_443 = arith.extui %sign3A_442 : i1 to i32
    %sign3A_444 = arith.constant 0 : i32
    %sign3A_445 = arith.cmpi slt, %sub3A_438, %sign3A_444 : i32
    %sign3A_446 = arith.extui %sign3A_445 : i1 to i32
    %sign3A_447 = arith.subi %sign3A_443, %sign3A_446 : i32
    %sign3A_448 = arith.constant 0 : i32
    %sign3A_449 = arith.cmpi sgt, %jit3A_439, %sign3A_448 : i32
    %sign3A_450 = arith.extui %sign3A_449 : i1 to i32
    %sign3A_451 = arith.constant 0 : i32
    %sign3A_452 = arith.cmpi slt, %jit3A_439, %sign3A_451 : i32
    %sign3A_453 = arith.extui %sign3A_452 : i1 to i32
    %sign3A_454 = arith.subi %sign3A_450, %sign3A_453 : i32
    %ne3A_455 = arith.cmpi ne, %sign3A_447, %sign3A_454 : i32
    %rem3A_456 = arith.remsi %sub3A_438, %jit3A_439 : i32
    %ne3A_457 = arith.constant 0 : i32
    %ne3A_458 = arith.cmpi ne, %rem3A_456, %ne3A_457 : i32
    %and3A_459 = arith.andi %ne3A_455, %ne3A_458 : i1
    %sub3A_460 = arith.constant 1 : i32
    %sub3A_461 = arith.subi %div3A_440, %sub3A_460 : i32
    %select_n3A_462 = arith.select %and3A_459, %sub3A_461, %div3A_440 : i32
    %mul3A_463 = arith.constant 256 : i32
    %mul3A_464 = arith.muli %add3A_363, %mul3A_463 : i32
    %add3A_465 = vector.broadcast %sub3A_429 : vector<32x1xi32> to vector<32x128xi32>
    %add3A_466 = arith.addi %add3A_465, %add3A_402 : vector<32x128xi32>
    %sub3A_467 = arith.constant 1 : i32
    %sub3A_468 = vector.broadcast %sub3A_467 : i32 to vector<32x128xi32>
    %sub3A_469 = arith.subi %add3A_466, %sub3A_468 : vector<32x128xi32>
    %add3A_470 = vector.broadcast %mul3A_464 : i32 to vector<32x128xi32>
    %add3A_471 = arith.addi %sub3A_469, %add3A_470 : vector<32x128xi32>
    %mul3A_472 = arith.muli %convert_element_type3A_367, %add3A_471 : vector<32x128xi32>
    %add3A_473 = arith.addi %add3A_350, %mul3A_472 : vector<32x128xi32>
    %eq3A_474 = arith.constant 3 : i32
    %eq3A_475 = vector.broadcast %eq3A_474 : i32 to vector<1x8xi32>
    %eq3A_476 = arith.cmpi eq, %iota3A, %eq3A_475 : vector<1x8xi32>
    %jit3A_477 = arith.constant 0 : i32
    %broadcast_in_dim3A_478 = vector.broadcast %add3A_434 : i32 to vector<1x8xi32>
    %broadcast_in_dim3A_479 = vector.broadcast %jit3A_477 : i32 to vector<1x8xi32>
    %select_n3A_480 = arith.select %eq3A_476, %broadcast_in_dim3A_478, %broadcast_in_dim3A_479 : vector<1x8xi1>, vector<1x8xi32>
    %add3A_481 = arith.addi %add3A_358, %select_n3A_480 : vector<1x8xi32>
    %ge3A_482 = vector.broadcast %add3A_363 : i32 to vector<1x23xi32>
    %ge3A_483 = arith.cmpi sge, %iota3A_7, %ge3A_482 : vector<1x23xi32>
    %convert_element_type3A_484 = arith.extui %ge3A_483 : vector<1x23xi1> to vector<1x23xi32>
    %add3A_485 = arith.addi %add3A_362, %convert_element_type3A_484 : vector<1x23xi32>
    %add3A_486 = arith.addi %add3A_363, %select_n3A_462 : i32
    %eq3A_487 = arith.constant 4 : i32
    %eq3A_488 = vector.broadcast %eq3A_487 : i32 to vector<32x128xi32>
    %eq3A_489 = arith.cmpi eq, %get3A_1, %eq3A_488 : vector<32x128xi32>
    %convert_element_type3A_490 = arith.extui %eq3A_489 : vector<32x128xi1> to vector<32x128xi32>
    %broadcast_in_dim3A_491 = arith.constant 0 : i32
    %broadcast_in_dim3A_492 = vector.broadcast %broadcast_in_dim3A_491 : i32 to vector<32x1xi32>
    %slice3A_493 = vector.extract_strided_slice %convert_element_type3A_490 {offsets = [0, 0], sizes = [32, 127], strides = [1, 1]} : vector<32x128xi32> to vector<32x127xi32>
    %concatenate3A_494 = tpu.concatenate %broadcast_in_dim3A_492, %slice3A_493 in 1 : vector<32x1xi32>, vector<32x127xi32> -> vector<32x128xi32>
    %add3A_495 = arith.addi %convert_element_type3A_490, %concatenate3A_494 : vector<32x128xi32>
    %broadcast_in_dim3A_496 = arith.constant 0 : i32
    %broadcast_in_dim3A_497 = vector.broadcast %broadcast_in_dim3A_496 : i32 to vector<32x2xi32>
    %slice3A_498 = vector.extract_strided_slice %add3A_495 {offsets = [0, 0], sizes = [32, 126], strides = [1, 1]} : vector<32x128xi32> to vector<32x126xi32>
    %concatenate3A_499 = tpu.concatenate %broadcast_in_dim3A_497, %slice3A_498 in 1 : vector<32x2xi32>, vector<32x126xi32> -> vector<32x128xi32>
    %add3A_500 = arith.addi %add3A_495, %concatenate3A_499 : vector<32x128xi32>
    %broadcast_in_dim3A_501 = arith.constant 0 : i32
    %broadcast_in_dim3A_502 = vector.broadcast %broadcast_in_dim3A_501 : i32 to vector<32x4xi32>
    %slice3A_503 = vector.extract_strided_slice %add3A_500 {offsets = [0, 0], sizes = [32, 124], strides = [1, 1]} : vector<32x128xi32> to vector<32x124xi32>
    %concatenate3A_504 = tpu.concatenate %broadcast_in_dim3A_502, %slice3A_503 in 1 : vector<32x4xi32>, vector<32x124xi32> -> vector<32x128xi32>
    %add3A_505 = arith.addi %add3A_500, %concatenate3A_504 : vector<32x128xi32>
    %broadcast_in_dim3A_506 = arith.constant 0 : i32
    %broadcast_in_dim3A_507 = vector.broadcast %broadcast_in_dim3A_506 : i32 to vector<32x8xi32>
    %slice3A_508 = vector.extract_strided_slice %add3A_505 {offsets = [0, 0], sizes = [32, 120], strides = [1, 1]} : vector<32x128xi32> to vector<32x120xi32>
    %concatenate3A_509 = tpu.concatenate %broadcast_in_dim3A_507, %slice3A_508 in 1 : vector<32x8xi32>, vector<32x120xi32> -> vector<32x128xi32>
    %add3A_510 = arith.addi %add3A_505, %concatenate3A_509 : vector<32x128xi32>
    %broadcast_in_dim3A_511 = arith.constant 0 : i32
    %broadcast_in_dim3A_512 = vector.broadcast %broadcast_in_dim3A_511 : i32 to vector<32x16xi32>
    %slice3A_513 = vector.extract_strided_slice %add3A_510 {offsets = [0, 0], sizes = [32, 112], strides = [1, 1]} : vector<32x128xi32> to vector<32x112xi32>
    %concatenate3A_514 = tpu.concatenate %broadcast_in_dim3A_512, %slice3A_513 in 1 : vector<32x16xi32>, vector<32x112xi32> -> vector<32x128xi32>
    %add3A_515 = arith.addi %add3A_510, %concatenate3A_514 : vector<32x128xi32>
    %broadcast_in_dim3A_516 = arith.constant 0 : i32
    %broadcast_in_dim3A_517 = vector.broadcast %broadcast_in_dim3A_516 : i32 to vector<32x32xi32>
    %slice3A_518 = vector.extract_strided_slice %add3A_515 {offsets = [0, 0], sizes = [32, 96], strides = [1, 1]} : vector<32x128xi32> to vector<32x96xi32>
    %concatenate3A_519 = tpu.concatenate %broadcast_in_dim3A_517, %slice3A_518 in 1 : vector<32x32xi32>, vector<32x96xi32> -> vector<32x128xi32>
    %add3A_520 = arith.addi %add3A_515, %concatenate3A_519 : vector<32x128xi32>
    %broadcast_in_dim3A_521 = arith.constant 0 : i32
    %broadcast_in_dim3A_522 = vector.broadcast %broadcast_in_dim3A_521 : i32 to vector<32x64xi32>
    %slice3A_523 = vector.extract_strided_slice %add3A_520 {offsets = [0, 0], sizes = [32, 64], strides = [1, 1]} : vector<32x128xi32> to vector<32x64xi32>
    %concatenate3A_524 = tpu.concatenate %broadcast_in_dim3A_522, %slice3A_523 in 1 : vector<32x64xi32>, vector<32x64xi32> -> vector<32x128xi32>
    %add3A_525 = arith.addi %add3A_520, %concatenate3A_524 : vector<32x128xi32>
    %slice3A_526 = vector.extract_strided_slice %add3A_525 {offsets = [0, 127], sizes = [32, 1], strides = [1, 1]} : vector<32x128xi32> to vector<32x1xi32>
    %broadcast_in_dim3A_527 = arith.constant 0 : i32
    %broadcast_in_dim3A_528 = vector.broadcast %broadcast_in_dim3A_527 : i32 to vector<1x1xi32>
    %slice3A_529 = vector.extract_strided_slice %slice3A_526 {offsets = [0, 0], sizes = [31, 1], strides = [1, 1]} : vector<32x1xi32> to vector<31x1xi32>
    %concatenate3A_530 = tpu.concatenate %broadcast_in_dim3A_528, %slice3A_529 in 0 : vector<1x1xi32>, vector<31x1xi32> -> vector<32x1xi32>
    %add3A_531 = arith.addi %slice3A_526, %concatenate3A_530 : vector<32x1xi32>
    %broadcast_in_dim3A_532 = arith.constant 0 : i32
    %broadcast_in_dim3A_533 = vector.broadcast %broadcast_in_dim3A_532 : i32 to vector<2x1xi32>
    %slice3A_534 = vector.extract_strided_slice %add3A_531 {offsets = [0, 0], sizes = [30, 1], strides = [1, 1]} : vector<32x1xi32> to vector<30x1xi32>
    %concatenate3A_535 = tpu.concatenate %broadcast_in_dim3A_533, %slice3A_534 in 0 : vector<2x1xi32>, vector<30x1xi32> -> vector<32x1xi32>
    %add3A_536 = arith.addi %add3A_531, %concatenate3A_535 : vector<32x1xi32>
    %broadcast_in_dim3A_537 = arith.constant 0 : i32
    %broadcast_in_dim3A_538 = vector.broadcast %broadcast_in_dim3A_537 : i32 to vector<4x1xi32>
    %slice3A_539 = vector.extract_strided_slice %add3A_536 {offsets = [0, 0], sizes = [28, 1], strides = [1, 1]} : vector<32x1xi32> to vector<28x1xi32>
    %concatenate3A_540 = tpu.concatenate %broadcast_in_dim3A_538, %slice3A_539 in 0 : vector<4x1xi32>, vector<28x1xi32> -> vector<32x1xi32>
    %add3A_541 = arith.addi %add3A_536, %concatenate3A_540 : vector<32x1xi32>
    %broadcast_in_dim3A_542 = arith.constant 0 : i32
    %broadcast_in_dim3A_543 = vector.broadcast %broadcast_in_dim3A_542 : i32 to vector<8x1xi32>
    %slice3A_544 = vector.extract_strided_slice %add3A_541 {offsets = [0, 0], sizes = [24, 1], strides = [1, 1]} : vector<32x1xi32> to vector<24x1xi32>
    %concatenate3A_545 = tpu.concatenate %broadcast_in_dim3A_543, %slice3A_544 in 0 : vector<8x1xi32>, vector<24x1xi32> -> vector<32x1xi32>
    %add3A_546 = arith.addi %add3A_541, %concatenate3A_545 : vector<32x1xi32>
    %broadcast_in_dim3A_547 = arith.constant 0 : i32
    %broadcast_in_dim3A_548 = vector.broadcast %broadcast_in_dim3A_547 : i32 to vector<16x1xi32>
    %slice3A_549 = vector.extract_strided_slice %add3A_546 {offsets = [0, 0], sizes = [16, 1], strides = [1, 1]} : vector<32x1xi32> to vector<16x1xi32>
    %concatenate3A_550 = tpu.concatenate %broadcast_in_dim3A_548, %slice3A_549 in 0 : vector<16x1xi32>, vector<16x1xi32> -> vector<32x1xi32>
    %add3A_551 = arith.addi %add3A_546, %concatenate3A_550 : vector<32x1xi32>
    %sub3A_552 = arith.subi %add3A_551, %slice3A_526 : vector<32x1xi32>
    %slice3A_553 = vector.extract_strided_slice %sub3A_552 {offsets = [31, 0], sizes = [1, 1], strides = [1, 1]} : vector<32x1xi32> to vector<1x1xi32>
    %squeeze3A_554 = vector.extract %slice3A_553[0, 0] : i32 from vector<1x1xi32>
    %slice3A_555 = vector.extract_strided_slice %slice3A_526 {offsets = [31, 0], sizes = [1, 1], strides = [1, 1]} : vector<32x1xi32> to vector<1x1xi32>
    %squeeze3A_556 = vector.extract %slice3A_555[0, 0] : i32 from vector<1x1xi32>
    %add3A_557 = arith.addi %squeeze3A_554, %squeeze3A_556 : i32
    %add3A_558 = arith.constant 256 : i32
    %add3A_559 = arith.addi %add3A_557, %add3A_558 : i32
    %sub3A_560 = arith.constant 1 : i32
    %sub3A_561 = arith.subi %add3A_559, %sub3A_560 : i32
    %jit3A_562 = arith.constant 256 : i32
    %div3A_563 = arith.divsi %sub3A_561, %jit3A_562 : i32
    %sign3A_564 = arith.constant 0 : i32
    %sign3A_565 = arith.cmpi sgt, %sub3A_561, %sign3A_564 : i32
    %sign3A_566 = arith.extui %sign3A_565 : i1 to i32
    %sign3A_567 = arith.constant 0 : i32
    %sign3A_568 = arith.cmpi slt, %sub3A_561, %sign3A_567 : i32
    %sign3A_569 = arith.extui %sign3A_568 : i1 to i32
    %sign3A_570 = arith.subi %sign3A_566, %sign3A_569 : i32
    %sign3A_571 = arith.constant 0 : i32
    %sign3A_572 = arith.cmpi sgt, %jit3A_562, %sign3A_571 : i32
    %sign3A_573 = arith.extui %sign3A_572 : i1 to i32
    %sign3A_574 = arith.constant 0 : i32
    %sign3A_575 = arith.cmpi slt, %jit3A_562, %sign3A_574 : i32
    %sign3A_576 = arith.extui %sign3A_575 : i1 to i32
    %sign3A_577 = arith.subi %sign3A_573, %sign3A_576 : i32
    %ne3A_578 = arith.cmpi ne, %sign3A_570, %sign3A_577 : i32
    %rem3A_579 = arith.remsi %sub3A_561, %jit3A_562 : i32
    %ne3A_580 = arith.constant 0 : i32
    %ne3A_581 = arith.cmpi ne, %rem3A_579, %ne3A_580 : i32
    %and3A_582 = arith.andi %ne3A_578, %ne3A_581 : i1
    %sub3A_583 = arith.constant 1 : i32
    %sub3A_584 = arith.subi %div3A_563, %sub3A_583 : i32
    %select_n3A_585 = arith.select %and3A_582, %sub3A_584, %div3A_563 : i32
    %mul3A_586 = arith.constant 256 : i32
    %mul3A_587 = arith.muli %add3A_486, %mul3A_586 : i32
    %add3A_588 = vector.broadcast %sub3A_552 : vector<32x1xi32> to vector<32x128xi32>
    %add3A_589 = arith.addi %add3A_588, %add3A_525 : vector<32x128xi32>
    %sub3A_590 = arith.constant 1 : i32
    %sub3A_591 = vector.broadcast %sub3A_590 : i32 to vector<32x128xi32>
    %sub3A_592 = arith.subi %add3A_589, %sub3A_591 : vector<32x128xi32>
    %add3A_593 = vector.broadcast %mul3A_587 : i32 to vector<32x128xi32>
    %add3A_594 = arith.addi %sub3A_592, %add3A_593 : vector<32x128xi32>
    %mul3A_595 = arith.muli %convert_element_type3A_490, %add3A_594 : vector<32x128xi32>
    %add3A_596 = arith.addi %add3A_473, %mul3A_595 : vector<32x128xi32>
    %eq3A_597 = arith.constant 4 : i32
    %eq3A_598 = vector.broadcast %eq3A_597 : i32 to vector<1x8xi32>
    %eq3A_599 = arith.cmpi eq, %iota3A, %eq3A_598 : vector<1x8xi32>
    %jit3A_600 = arith.constant 0 : i32
    %broadcast_in_dim3A_601 = vector.broadcast %add3A_557 : i32 to vector<1x8xi32>
    %broadcast_in_dim3A_602 = vector.broadcast %jit3A_600 : i32 to vector<1x8xi32>
    %select_n3A_603 = arith.select %eq3A_599, %broadcast_in_dim3A_601, %broadcast_in_dim3A_602 : vector<1x8xi1>, vector<1x8xi32>
    %add3A_604 = arith.addi %add3A_481, %select_n3A_603 : vector<1x8xi32>
    %ge3A_605 = vector.broadcast %add3A_486 : i32 to vector<1x23xi32>
    %ge3A_606 = arith.cmpi sge, %iota3A_7, %ge3A_605 : vector<1x23xi32>
    %convert_element_type3A_607 = arith.extui %ge3A_606 : vector<1x23xi1> to vector<1x23xi32>
    %add3A_608 = arith.addi %add3A_485, %convert_element_type3A_607 : vector<1x23xi32>
    %add3A_609 = arith.addi %add3A_486, %select_n3A_585 : i32
    %eq3A_610 = arith.constant 5 : i32
    %eq3A_611 = vector.broadcast %eq3A_610 : i32 to vector<32x128xi32>
    %eq3A_612 = arith.cmpi eq, %get3A_1, %eq3A_611 : vector<32x128xi32>
    %convert_element_type3A_613 = arith.extui %eq3A_612 : vector<32x128xi1> to vector<32x128xi32>
    %broadcast_in_dim3A_614 = arith.constant 0 : i32
    %broadcast_in_dim3A_615 = vector.broadcast %broadcast_in_dim3A_614 : i32 to vector<32x1xi32>
    %slice3A_616 = vector.extract_strided_slice %convert_element_type3A_613 {offsets = [0, 0], sizes = [32, 127], strides = [1, 1]} : vector<32x128xi32> to vector<32x127xi32>
    %concatenate3A_617 = tpu.concatenate %broadcast_in_dim3A_615, %slice3A_616 in 1 : vector<32x1xi32>, vector<32x127xi32> -> vector<32x128xi32>
    %add3A_618 = arith.addi %convert_element_type3A_613, %concatenate3A_617 : vector<32x128xi32>
    %broadcast_in_dim3A_619 = arith.constant 0 : i32
    %broadcast_in_dim3A_620 = vector.broadcast %broadcast_in_dim3A_619 : i32 to vector<32x2xi32>
    %slice3A_621 = vector.extract_strided_slice %add3A_618 {offsets = [0, 0], sizes = [32, 126], strides = [1, 1]} : vector<32x128xi32> to vector<32x126xi32>
    %concatenate3A_622 = tpu.concatenate %broadcast_in_dim3A_620, %slice3A_621 in 1 : vector<32x2xi32>, vector<32x126xi32> -> vector<32x128xi32>
    %add3A_623 = arith.addi %add3A_618, %concatenate3A_622 : vector<32x128xi32>
    %broadcast_in_dim3A_624 = arith.constant 0 : i32
    %broadcast_in_dim3A_625 = vector.broadcast %broadcast_in_dim3A_624 : i32 to vector<32x4xi32>
    %slice3A_626 = vector.extract_strided_slice %add3A_623 {offsets = [0, 0], sizes = [32, 124], strides = [1, 1]} : vector<32x128xi32> to vector<32x124xi32>
    %concatenate3A_627 = tpu.concatenate %broadcast_in_dim3A_625, %slice3A_626 in 1 : vector<32x4xi32>, vector<32x124xi32> -> vector<32x128xi32>
    %add3A_628 = arith.addi %add3A_623, %concatenate3A_627 : vector<32x128xi32>
    %broadcast_in_dim3A_629 = arith.constant 0 : i32
    %broadcast_in_dim3A_630 = vector.broadcast %broadcast_in_dim3A_629 : i32 to vector<32x8xi32>
    %slice3A_631 = vector.extract_strided_slice %add3A_628 {offsets = [0, 0], sizes = [32, 120], strides = [1, 1]} : vector<32x128xi32> to vector<32x120xi32>
    %concatenate3A_632 = tpu.concatenate %broadcast_in_dim3A_630, %slice3A_631 in 1 : vector<32x8xi32>, vector<32x120xi32> -> vector<32x128xi32>
    %add3A_633 = arith.addi %add3A_628, %concatenate3A_632 : vector<32x128xi32>
    %broadcast_in_dim3A_634 = arith.constant 0 : i32
    %broadcast_in_dim3A_635 = vector.broadcast %broadcast_in_dim3A_634 : i32 to vector<32x16xi32>
    %slice3A_636 = vector.extract_strided_slice %add3A_633 {offsets = [0, 0], sizes = [32, 112], strides = [1, 1]} : vector<32x128xi32> to vector<32x112xi32>
    %concatenate3A_637 = tpu.concatenate %broadcast_in_dim3A_635, %slice3A_636 in 1 : vector<32x16xi32>, vector<32x112xi32> -> vector<32x128xi32>
    %add3A_638 = arith.addi %add3A_633, %concatenate3A_637 : vector<32x128xi32>
    %broadcast_in_dim3A_639 = arith.constant 0 : i32
    %broadcast_in_dim3A_640 = vector.broadcast %broadcast_in_dim3A_639 : i32 to vector<32x32xi32>
    %slice3A_641 = vector.extract_strided_slice %add3A_638 {offsets = [0, 0], sizes = [32, 96], strides = [1, 1]} : vector<32x128xi32> to vector<32x96xi32>
    %concatenate3A_642 = tpu.concatenate %broadcast_in_dim3A_640, %slice3A_641 in 1 : vector<32x32xi32>, vector<32x96xi32> -> vector<32x128xi32>
    %add3A_643 = arith.addi %add3A_638, %concatenate3A_642 : vector<32x128xi32>
    %broadcast_in_dim3A_644 = arith.constant 0 : i32
    %broadcast_in_dim3A_645 = vector.broadcast %broadcast_in_dim3A_644 : i32 to vector<32x64xi32>
    %slice3A_646 = vector.extract_strided_slice %add3A_643 {offsets = [0, 0], sizes = [32, 64], strides = [1, 1]} : vector<32x128xi32> to vector<32x64xi32>
    %concatenate3A_647 = tpu.concatenate %broadcast_in_dim3A_645, %slice3A_646 in 1 : vector<32x64xi32>, vector<32x64xi32> -> vector<32x128xi32>
    %add3A_648 = arith.addi %add3A_643, %concatenate3A_647 : vector<32x128xi32>
    %slice3A_649 = vector.extract_strided_slice %add3A_648 {offsets = [0, 127], sizes = [32, 1], strides = [1, 1]} : vector<32x128xi32> to vector<32x1xi32>
    %broadcast_in_dim3A_650 = arith.constant 0 : i32
    %broadcast_in_dim3A_651 = vector.broadcast %broadcast_in_dim3A_650 : i32 to vector<1x1xi32>
    %slice3A_652 = vector.extract_strided_slice %slice3A_649 {offsets = [0, 0], sizes = [31, 1], strides = [1, 1]} : vector<32x1xi32> to vector<31x1xi32>
    %concatenate3A_653 = tpu.concatenate %broadcast_in_dim3A_651, %slice3A_652 in 0 : vector<1x1xi32>, vector<31x1xi32> -> vector<32x1xi32>
    %add3A_654 = arith.addi %slice3A_649, %concatenate3A_653 : vector<32x1xi32>
    %broadcast_in_dim3A_655 = arith.constant 0 : i32
    %broadcast_in_dim3A_656 = vector.broadcast %broadcast_in_dim3A_655 : i32 to vector<2x1xi32>
    %slice3A_657 = vector.extract_strided_slice %add3A_654 {offsets = [0, 0], sizes = [30, 1], strides = [1, 1]} : vector<32x1xi32> to vector<30x1xi32>
    %concatenate3A_658 = tpu.concatenate %broadcast_in_dim3A_656, %slice3A_657 in 0 : vector<2x1xi32>, vector<30x1xi32> -> vector<32x1xi32>
    %add3A_659 = arith.addi %add3A_654, %concatenate3A_658 : vector<32x1xi32>
    %broadcast_in_dim3A_660 = arith.constant 0 : i32
    %broadcast_in_dim3A_661 = vector.broadcast %broadcast_in_dim3A_660 : i32 to vector<4x1xi32>
    %slice3A_662 = vector.extract_strided_slice %add3A_659 {offsets = [0, 0], sizes = [28, 1], strides = [1, 1]} : vector<32x1xi32> to vector<28x1xi32>
    %concatenate3A_663 = tpu.concatenate %broadcast_in_dim3A_661, %slice3A_662 in 0 : vector<4x1xi32>, vector<28x1xi32> -> vector<32x1xi32>
    %add3A_664 = arith.addi %add3A_659, %concatenate3A_663 : vector<32x1xi32>
    %broadcast_in_dim3A_665 = arith.constant 0 : i32
    %broadcast_in_dim3A_666 = vector.broadcast %broadcast_in_dim3A_665 : i32 to vector<8x1xi32>
    %slice3A_667 = vector.extract_strided_slice %add3A_664 {offsets = [0, 0], sizes = [24, 1], strides = [1, 1]} : vector<32x1xi32> to vector<24x1xi32>
    %concatenate3A_668 = tpu.concatenate %broadcast_in_dim3A_666, %slice3A_667 in 0 : vector<8x1xi32>, vector<24x1xi32> -> vector<32x1xi32>
    %add3A_669 = arith.addi %add3A_664, %concatenate3A_668 : vector<32x1xi32>
    %broadcast_in_dim3A_670 = arith.constant 0 : i32
    %broadcast_in_dim3A_671 = vector.broadcast %broadcast_in_dim3A_670 : i32 to vector<16x1xi32>
    %slice3A_672 = vector.extract_strided_slice %add3A_669 {offsets = [0, 0], sizes = [16, 1], strides = [1, 1]} : vector<32x1xi32> to vector<16x1xi32>
    %concatenate3A_673 = tpu.concatenate %broadcast_in_dim3A_671, %slice3A_672 in 0 : vector<16x1xi32>, vector<16x1xi32> -> vector<32x1xi32>
    %add3A_674 = arith.addi %add3A_669, %concatenate3A_673 : vector<32x1xi32>
    %sub3A_675 = arith.subi %add3A_674, %slice3A_649 : vector<32x1xi32>
    %slice3A_676 = vector.extract_strided_slice %sub3A_675 {offsets = [31, 0], sizes = [1, 1], strides = [1, 1]} : vector<32x1xi32> to vector<1x1xi32>
    %squeeze3A_677 = vector.extract %slice3A_676[0, 0] : i32 from vector<1x1xi32>
    %slice3A_678 = vector.extract_strided_slice %slice3A_649 {offsets = [31, 0], sizes = [1, 1], strides = [1, 1]} : vector<32x1xi32> to vector<1x1xi32>
    %squeeze3A_679 = vector.extract %slice3A_678[0, 0] : i32 from vector<1x1xi32>
    %add3A_680 = arith.addi %squeeze3A_677, %squeeze3A_679 : i32
    %add3A_681 = arith.constant 256 : i32
    %add3A_682 = arith.addi %add3A_680, %add3A_681 : i32
    %sub3A_683 = arith.constant 1 : i32
    %sub3A_684 = arith.subi %add3A_682, %sub3A_683 : i32
    %jit3A_685 = arith.constant 256 : i32
    %div3A_686 = arith.divsi %sub3A_684, %jit3A_685 : i32
    %sign3A_687 = arith.constant 0 : i32
    %sign3A_688 = arith.cmpi sgt, %sub3A_684, %sign3A_687 : i32
    %sign3A_689 = arith.extui %sign3A_688 : i1 to i32
    %sign3A_690 = arith.constant 0 : i32
    %sign3A_691 = arith.cmpi slt, %sub3A_684, %sign3A_690 : i32
    %sign3A_692 = arith.extui %sign3A_691 : i1 to i32
    %sign3A_693 = arith.subi %sign3A_689, %sign3A_692 : i32
    %sign3A_694 = arith.constant 0 : i32
    %sign3A_695 = arith.cmpi sgt, %jit3A_685, %sign3A_694 : i32
    %sign3A_696 = arith.extui %sign3A_695 : i1 to i32
    %sign3A_697 = arith.constant 0 : i32
    %sign3A_698 = arith.cmpi slt, %jit3A_685, %sign3A_697 : i32
    %sign3A_699 = arith.extui %sign3A_698 : i1 to i32
    %sign3A_700 = arith.subi %sign3A_696, %sign3A_699 : i32
    %ne3A_701 = arith.cmpi ne, %sign3A_693, %sign3A_700 : i32
    %rem3A_702 = arith.remsi %sub3A_684, %jit3A_685 : i32
    %ne3A_703 = arith.constant 0 : i32
    %ne3A_704 = arith.cmpi ne, %rem3A_702, %ne3A_703 : i32
    %and3A_705 = arith.andi %ne3A_701, %ne3A_704 : i1
    %sub3A_706 = arith.constant 1 : i32
    %sub3A_707 = arith.subi %div3A_686, %sub3A_706 : i32
    %select_n3A_708 = arith.select %and3A_705, %sub3A_707, %div3A_686 : i32
    %mul3A_709 = arith.constant 256 : i32
    %mul3A_710 = arith.muli %add3A_609, %mul3A_709 : i32
    %add3A_711 = vector.broadcast %sub3A_675 : vector<32x1xi32> to vector<32x128xi32>
    %add3A_712 = arith.addi %add3A_711, %add3A_648 : vector<32x128xi32>
    %sub3A_713 = arith.constant 1 : i32
    %sub3A_714 = vector.broadcast %sub3A_713 : i32 to vector<32x128xi32>
    %sub3A_715 = arith.subi %add3A_712, %sub3A_714 : vector<32x128xi32>
    %add3A_716 = vector.broadcast %mul3A_710 : i32 to vector<32x128xi32>
    %add3A_717 = arith.addi %sub3A_715, %add3A_716 : vector<32x128xi32>
    %mul3A_718 = arith.muli %convert_element_type3A_613, %add3A_717 : vector<32x128xi32>
    %add3A_719 = arith.addi %add3A_596, %mul3A_718 : vector<32x128xi32>
    %eq3A_720 = arith.constant 5 : i32
    %eq3A_721 = vector.broadcast %eq3A_720 : i32 to vector<1x8xi32>
    %eq3A_722 = arith.cmpi eq, %iota3A, %eq3A_721 : vector<1x8xi32>
    %jit3A_723 = arith.constant 0 : i32
    %broadcast_in_dim3A_724 = vector.broadcast %add3A_680 : i32 to vector<1x8xi32>
    %broadcast_in_dim3A_725 = vector.broadcast %jit3A_723 : i32 to vector<1x8xi32>
    %select_n3A_726 = arith.select %eq3A_722, %broadcast_in_dim3A_724, %broadcast_in_dim3A_725 : vector<1x8xi1>, vector<1x8xi32>
    %add3A_727 = arith.addi %add3A_604, %select_n3A_726 : vector<1x8xi32>
    %ge3A_728 = vector.broadcast %add3A_609 : i32 to vector<1x23xi32>
    %ge3A_729 = arith.cmpi sge, %iota3A_7, %ge3A_728 : vector<1x23xi32>
    %convert_element_type3A_730 = arith.extui %ge3A_729 : vector<1x23xi1> to vector<1x23xi32>
    %add3A_731 = arith.addi %add3A_608, %convert_element_type3A_730 : vector<1x23xi32>
    %add3A_732 = arith.addi %add3A_609, %select_n3A_708 : i32
    %eq3A_733 = arith.constant 6 : i32
    %eq3A_734 = vector.broadcast %eq3A_733 : i32 to vector<32x128xi32>
    %eq3A_735 = arith.cmpi eq, %get3A_1, %eq3A_734 : vector<32x128xi32>
    %convert_element_type3A_736 = arith.extui %eq3A_735 : vector<32x128xi1> to vector<32x128xi32>
    %broadcast_in_dim3A_737 = arith.constant 0 : i32
    %broadcast_in_dim3A_738 = vector.broadcast %broadcast_in_dim3A_737 : i32 to vector<32x1xi32>
    %slice3A_739 = vector.extract_strided_slice %convert_element_type3A_736 {offsets = [0, 0], sizes = [32, 127], strides = [1, 1]} : vector<32x128xi32> to vector<32x127xi32>
    %concatenate3A_740 = tpu.concatenate %broadcast_in_dim3A_738, %slice3A_739 in 1 : vector<32x1xi32>, vector<32x127xi32> -> vector<32x128xi32>
    %add3A_741 = arith.addi %convert_element_type3A_736, %concatenate3A_740 : vector<32x128xi32>
    %broadcast_in_dim3A_742 = arith.constant 0 : i32
    %broadcast_in_dim3A_743 = vector.broadcast %broadcast_in_dim3A_742 : i32 to vector<32x2xi32>
    %slice3A_744 = vector.extract_strided_slice %add3A_741 {offsets = [0, 0], sizes = [32, 126], strides = [1, 1]} : vector<32x128xi32> to vector<32x126xi32>
    %concatenate3A_745 = tpu.concatenate %broadcast_in_dim3A_743, %slice3A_744 in 1 : vector<32x2xi32>, vector<32x126xi32> -> vector<32x128xi32>
    %add3A_746 = arith.addi %add3A_741, %concatenate3A_745 : vector<32x128xi32>
    %broadcast_in_dim3A_747 = arith.constant 0 : i32
    %broadcast_in_dim3A_748 = vector.broadcast %broadcast_in_dim3A_747 : i32 to vector<32x4xi32>
    %slice3A_749 = vector.extract_strided_slice %add3A_746 {offsets = [0, 0], sizes = [32, 124], strides = [1, 1]} : vector<32x128xi32> to vector<32x124xi32>
    %concatenate3A_750 = tpu.concatenate %broadcast_in_dim3A_748, %slice3A_749 in 1 : vector<32x4xi32>, vector<32x124xi32> -> vector<32x128xi32>
    %add3A_751 = arith.addi %add3A_746, %concatenate3A_750 : vector<32x128xi32>
    %broadcast_in_dim3A_752 = arith.constant 0 : i32
    %broadcast_in_dim3A_753 = vector.broadcast %broadcast_in_dim3A_752 : i32 to vector<32x8xi32>
    %slice3A_754 = vector.extract_strided_slice %add3A_751 {offsets = [0, 0], sizes = [32, 120], strides = [1, 1]} : vector<32x128xi32> to vector<32x120xi32>
    %concatenate3A_755 = tpu.concatenate %broadcast_in_dim3A_753, %slice3A_754 in 1 : vector<32x8xi32>, vector<32x120xi32> -> vector<32x128xi32>
    %add3A_756 = arith.addi %add3A_751, %concatenate3A_755 : vector<32x128xi32>
    %broadcast_in_dim3A_757 = arith.constant 0 : i32
    %broadcast_in_dim3A_758 = vector.broadcast %broadcast_in_dim3A_757 : i32 to vector<32x16xi32>
    %slice3A_759 = vector.extract_strided_slice %add3A_756 {offsets = [0, 0], sizes = [32, 112], strides = [1, 1]} : vector<32x128xi32> to vector<32x112xi32>
    %concatenate3A_760 = tpu.concatenate %broadcast_in_dim3A_758, %slice3A_759 in 1 : vector<32x16xi32>, vector<32x112xi32> -> vector<32x128xi32>
    %add3A_761 = arith.addi %add3A_756, %concatenate3A_760 : vector<32x128xi32>
    %broadcast_in_dim3A_762 = arith.constant 0 : i32
    %broadcast_in_dim3A_763 = vector.broadcast %broadcast_in_dim3A_762 : i32 to vector<32x32xi32>
    %slice3A_764 = vector.extract_strided_slice %add3A_761 {offsets = [0, 0], sizes = [32, 96], strides = [1, 1]} : vector<32x128xi32> to vector<32x96xi32>
    %concatenate3A_765 = tpu.concatenate %broadcast_in_dim3A_763, %slice3A_764 in 1 : vector<32x32xi32>, vector<32x96xi32> -> vector<32x128xi32>
    %add3A_766 = arith.addi %add3A_761, %concatenate3A_765 : vector<32x128xi32>
    %broadcast_in_dim3A_767 = arith.constant 0 : i32
    %broadcast_in_dim3A_768 = vector.broadcast %broadcast_in_dim3A_767 : i32 to vector<32x64xi32>
    %slice3A_769 = vector.extract_strided_slice %add3A_766 {offsets = [0, 0], sizes = [32, 64], strides = [1, 1]} : vector<32x128xi32> to vector<32x64xi32>
    %concatenate3A_770 = tpu.concatenate %broadcast_in_dim3A_768, %slice3A_769 in 1 : vector<32x64xi32>, vector<32x64xi32> -> vector<32x128xi32>
    %add3A_771 = arith.addi %add3A_766, %concatenate3A_770 : vector<32x128xi32>
    %slice3A_772 = vector.extract_strided_slice %add3A_771 {offsets = [0, 127], sizes = [32, 1], strides = [1, 1]} : vector<32x128xi32> to vector<32x1xi32>
    %broadcast_in_dim3A_773 = arith.constant 0 : i32
    %broadcast_in_dim3A_774 = vector.broadcast %broadcast_in_dim3A_773 : i32 to vector<1x1xi32>
    %slice3A_775 = vector.extract_strided_slice %slice3A_772 {offsets = [0, 0], sizes = [31, 1], strides = [1, 1]} : vector<32x1xi32> to vector<31x1xi32>
    %concatenate3A_776 = tpu.concatenate %broadcast_in_dim3A_774, %slice3A_775 in 0 : vector<1x1xi32>, vector<31x1xi32> -> vector<32x1xi32>
    %add3A_777 = arith.addi %slice3A_772, %concatenate3A_776 : vector<32x1xi32>
    %broadcast_in_dim3A_778 = arith.constant 0 : i32
    %broadcast_in_dim3A_779 = vector.broadcast %broadcast_in_dim3A_778 : i32 to vector<2x1xi32>
    %slice3A_780 = vector.extract_strided_slice %add3A_777 {offsets = [0, 0], sizes = [30, 1], strides = [1, 1]} : vector<32x1xi32> to vector<30x1xi32>
    %concatenate3A_781 = tpu.concatenate %broadcast_in_dim3A_779, %slice3A_780 in 0 : vector<2x1xi32>, vector<30x1xi32> -> vector<32x1xi32>
    %add3A_782 = arith.addi %add3A_777, %concatenate3A_781 : vector<32x1xi32>
    %broadcast_in_dim3A_783 = arith.constant 0 : i32
    %broadcast_in_dim3A_784 = vector.broadcast %broadcast_in_dim3A_783 : i32 to vector<4x1xi32>
    %slice3A_785 = vector.extract_strided_slice %add3A_782 {offsets = [0, 0], sizes = [28, 1], strides = [1, 1]} : vector<32x1xi32> to vector<28x1xi32>
    %concatenate3A_786 = tpu.concatenate %broadcast_in_dim3A_784, %slice3A_785 in 0 : vector<4x1xi32>, vector<28x1xi32> -> vector<32x1xi32>
    %add3A_787 = arith.addi %add3A_782, %concatenate3A_786 : vector<32x1xi32>
    %broadcast_in_dim3A_788 = arith.constant 0 : i32
    %broadcast_in_dim3A_789 = vector.broadcast %broadcast_in_dim3A_788 : i32 to vector<8x1xi32>
    %slice3A_790 = vector.extract_strided_slice %add3A_787 {offsets = [0, 0], sizes = [24, 1], strides = [1, 1]} : vector<32x1xi32> to vector<24x1xi32>
    %concatenate3A_791 = tpu.concatenate %broadcast_in_dim3A_789, %slice3A_790 in 0 : vector<8x1xi32>, vector<24x1xi32> -> vector<32x1xi32>
    %add3A_792 = arith.addi %add3A_787, %concatenate3A_791 : vector<32x1xi32>
    %broadcast_in_dim3A_793 = arith.constant 0 : i32
    %broadcast_in_dim3A_794 = vector.broadcast %broadcast_in_dim3A_793 : i32 to vector<16x1xi32>
    %slice3A_795 = vector.extract_strided_slice %add3A_792 {offsets = [0, 0], sizes = [16, 1], strides = [1, 1]} : vector<32x1xi32> to vector<16x1xi32>
    %concatenate3A_796 = tpu.concatenate %broadcast_in_dim3A_794, %slice3A_795 in 0 : vector<16x1xi32>, vector<16x1xi32> -> vector<32x1xi32>
    %add3A_797 = arith.addi %add3A_792, %concatenate3A_796 : vector<32x1xi32>
    %sub3A_798 = arith.subi %add3A_797, %slice3A_772 : vector<32x1xi32>
    %slice3A_799 = vector.extract_strided_slice %sub3A_798 {offsets = [31, 0], sizes = [1, 1], strides = [1, 1]} : vector<32x1xi32> to vector<1x1xi32>
    %squeeze3A_800 = vector.extract %slice3A_799[0, 0] : i32 from vector<1x1xi32>
    %slice3A_801 = vector.extract_strided_slice %slice3A_772 {offsets = [31, 0], sizes = [1, 1], strides = [1, 1]} : vector<32x1xi32> to vector<1x1xi32>
    %squeeze3A_802 = vector.extract %slice3A_801[0, 0] : i32 from vector<1x1xi32>
    %add3A_803 = arith.addi %squeeze3A_800, %squeeze3A_802 : i32
    %add3A_804 = arith.constant 256 : i32
    %add3A_805 = arith.addi %add3A_803, %add3A_804 : i32
    %sub3A_806 = arith.constant 1 : i32
    %sub3A_807 = arith.subi %add3A_805, %sub3A_806 : i32
    %jit3A_808 = arith.constant 256 : i32
    %div3A_809 = arith.divsi %sub3A_807, %jit3A_808 : i32
    %sign3A_810 = arith.constant 0 : i32
    %sign3A_811 = arith.cmpi sgt, %sub3A_807, %sign3A_810 : i32
    %sign3A_812 = arith.extui %sign3A_811 : i1 to i32
    %sign3A_813 = arith.constant 0 : i32
    %sign3A_814 = arith.cmpi slt, %sub3A_807, %sign3A_813 : i32
    %sign3A_815 = arith.extui %sign3A_814 : i1 to i32
    %sign3A_816 = arith.subi %sign3A_812, %sign3A_815 : i32
    %sign3A_817 = arith.constant 0 : i32
    %sign3A_818 = arith.cmpi sgt, %jit3A_808, %sign3A_817 : i32
    %sign3A_819 = arith.extui %sign3A_818 : i1 to i32
    %sign3A_820 = arith.constant 0 : i32
    %sign3A_821 = arith.cmpi slt, %jit3A_808, %sign3A_820 : i32
    %sign3A_822 = arith.extui %sign3A_821 : i1 to i32
    %sign3A_823 = arith.subi %sign3A_819, %sign3A_822 : i32
    %ne3A_824 = arith.cmpi ne, %sign3A_816, %sign3A_823 : i32
    %rem3A_825 = arith.remsi %sub3A_807, %jit3A_808 : i32
    %ne3A_826 = arith.constant 0 : i32
    %ne3A_827 = arith.cmpi ne, %rem3A_825, %ne3A_826 : i32
    %and3A_828 = arith.andi %ne3A_824, %ne3A_827 : i1
    %sub3A_829 = arith.constant 1 : i32
    %sub3A_830 = arith.subi %div3A_809, %sub3A_829 : i32
    %select_n3A_831 = arith.select %and3A_828, %sub3A_830, %div3A_809 : i32
    %mul3A_832 = arith.constant 256 : i32
    %mul3A_833 = arith.muli %add3A_732, %mul3A_832 : i32
    %add3A_834 = vector.broadcast %sub3A_798 : vector<32x1xi32> to vector<32x128xi32>
    %add3A_835 = arith.addi %add3A_834, %add3A_771 : vector<32x128xi32>
    %sub3A_836 = arith.constant 1 : i32
    %sub3A_837 = vector.broadcast %sub3A_836 : i32 to vector<32x128xi32>
    %sub3A_838 = arith.subi %add3A_835, %sub3A_837 : vector<32x128xi32>
    %add3A_839 = vector.broadcast %mul3A_833 : i32 to vector<32x128xi32>
    %add3A_840 = arith.addi %sub3A_838, %add3A_839 : vector<32x128xi32>
    %mul3A_841 = arith.muli %convert_element_type3A_736, %add3A_840 : vector<32x128xi32>
    %add3A_842 = arith.addi %add3A_719, %mul3A_841 : vector<32x128xi32>
    %eq3A_843 = arith.constant 6 : i32
    %eq3A_844 = vector.broadcast %eq3A_843 : i32 to vector<1x8xi32>
    %eq3A_845 = arith.cmpi eq, %iota3A, %eq3A_844 : vector<1x8xi32>
    %jit3A_846 = arith.constant 0 : i32
    %broadcast_in_dim3A_847 = vector.broadcast %add3A_803 : i32 to vector<1x8xi32>
    %broadcast_in_dim3A_848 = vector.broadcast %jit3A_846 : i32 to vector<1x8xi32>
    %select_n3A_849 = arith.select %eq3A_845, %broadcast_in_dim3A_847, %broadcast_in_dim3A_848 : vector<1x8xi1>, vector<1x8xi32>
    %add3A_850 = arith.addi %add3A_727, %select_n3A_849 : vector<1x8xi32>
    %ge3A_851 = vector.broadcast %add3A_732 : i32 to vector<1x23xi32>
    %ge3A_852 = arith.cmpi sge, %iota3A_7, %ge3A_851 : vector<1x23xi32>
    %convert_element_type3A_853 = arith.extui %ge3A_852 : vector<1x23xi1> to vector<1x23xi32>
    %add3A_854 = arith.addi %add3A_731, %convert_element_type3A_853 : vector<1x23xi32>
    %add3A_855 = arith.addi %add3A_732, %select_n3A_831 : i32
    %eq3A_856 = arith.constant 7 : i32
    %eq3A_857 = vector.broadcast %eq3A_856 : i32 to vector<32x128xi32>
    %eq3A_858 = arith.cmpi eq, %get3A_1, %eq3A_857 : vector<32x128xi32>
    %convert_element_type3A_859 = arith.extui %eq3A_858 : vector<32x128xi1> to vector<32x128xi32>
    %broadcast_in_dim3A_860 = arith.constant 0 : i32
    %broadcast_in_dim3A_861 = vector.broadcast %broadcast_in_dim3A_860 : i32 to vector<32x1xi32>
    %slice3A_862 = vector.extract_strided_slice %convert_element_type3A_859 {offsets = [0, 0], sizes = [32, 127], strides = [1, 1]} : vector<32x128xi32> to vector<32x127xi32>
    %concatenate3A_863 = tpu.concatenate %broadcast_in_dim3A_861, %slice3A_862 in 1 : vector<32x1xi32>, vector<32x127xi32> -> vector<32x128xi32>
    %add3A_864 = arith.addi %convert_element_type3A_859, %concatenate3A_863 : vector<32x128xi32>
    %broadcast_in_dim3A_865 = arith.constant 0 : i32
    %broadcast_in_dim3A_866 = vector.broadcast %broadcast_in_dim3A_865 : i32 to vector<32x2xi32>
    %slice3A_867 = vector.extract_strided_slice %add3A_864 {offsets = [0, 0], sizes = [32, 126], strides = [1, 1]} : vector<32x128xi32> to vector<32x126xi32>
    %concatenate3A_868 = tpu.concatenate %broadcast_in_dim3A_866, %slice3A_867 in 1 : vector<32x2xi32>, vector<32x126xi32> -> vector<32x128xi32>
    %add3A_869 = arith.addi %add3A_864, %concatenate3A_868 : vector<32x128xi32>
    %broadcast_in_dim3A_870 = arith.constant 0 : i32
    %broadcast_in_dim3A_871 = vector.broadcast %broadcast_in_dim3A_870 : i32 to vector<32x4xi32>
    %slice3A_872 = vector.extract_strided_slice %add3A_869 {offsets = [0, 0], sizes = [32, 124], strides = [1, 1]} : vector<32x128xi32> to vector<32x124xi32>
    %concatenate3A_873 = tpu.concatenate %broadcast_in_dim3A_871, %slice3A_872 in 1 : vector<32x4xi32>, vector<32x124xi32> -> vector<32x128xi32>
    %add3A_874 = arith.addi %add3A_869, %concatenate3A_873 : vector<32x128xi32>
    %broadcast_in_dim3A_875 = arith.constant 0 : i32
    %broadcast_in_dim3A_876 = vector.broadcast %broadcast_in_dim3A_875 : i32 to vector<32x8xi32>
    %slice3A_877 = vector.extract_strided_slice %add3A_874 {offsets = [0, 0], sizes = [32, 120], strides = [1, 1]} : vector<32x128xi32> to vector<32x120xi32>
    %concatenate3A_878 = tpu.concatenate %broadcast_in_dim3A_876, %slice3A_877 in 1 : vector<32x8xi32>, vector<32x120xi32> -> vector<32x128xi32>
    %add3A_879 = arith.addi %add3A_874, %concatenate3A_878 : vector<32x128xi32>
    %broadcast_in_dim3A_880 = arith.constant 0 : i32
    %broadcast_in_dim3A_881 = vector.broadcast %broadcast_in_dim3A_880 : i32 to vector<32x16xi32>
    %slice3A_882 = vector.extract_strided_slice %add3A_879 {offsets = [0, 0], sizes = [32, 112], strides = [1, 1]} : vector<32x128xi32> to vector<32x112xi32>
    %concatenate3A_883 = tpu.concatenate %broadcast_in_dim3A_881, %slice3A_882 in 1 : vector<32x16xi32>, vector<32x112xi32> -> vector<32x128xi32>
    %add3A_884 = arith.addi %add3A_879, %concatenate3A_883 : vector<32x128xi32>
    %broadcast_in_dim3A_885 = arith.constant 0 : i32
    %broadcast_in_dim3A_886 = vector.broadcast %broadcast_in_dim3A_885 : i32 to vector<32x32xi32>
    %slice3A_887 = vector.extract_strided_slice %add3A_884 {offsets = [0, 0], sizes = [32, 96], strides = [1, 1]} : vector<32x128xi32> to vector<32x96xi32>
    %concatenate3A_888 = tpu.concatenate %broadcast_in_dim3A_886, %slice3A_887 in 1 : vector<32x32xi32>, vector<32x96xi32> -> vector<32x128xi32>
    %add3A_889 = arith.addi %add3A_884, %concatenate3A_888 : vector<32x128xi32>
    %broadcast_in_dim3A_890 = arith.constant 0 : i32
    %broadcast_in_dim3A_891 = vector.broadcast %broadcast_in_dim3A_890 : i32 to vector<32x64xi32>
    %slice3A_892 = vector.extract_strided_slice %add3A_889 {offsets = [0, 0], sizes = [32, 64], strides = [1, 1]} : vector<32x128xi32> to vector<32x64xi32>
    %concatenate3A_893 = tpu.concatenate %broadcast_in_dim3A_891, %slice3A_892 in 1 : vector<32x64xi32>, vector<32x64xi32> -> vector<32x128xi32>
    %add3A_894 = arith.addi %add3A_889, %concatenate3A_893 : vector<32x128xi32>
    %slice3A_895 = vector.extract_strided_slice %add3A_894 {offsets = [0, 127], sizes = [32, 1], strides = [1, 1]} : vector<32x128xi32> to vector<32x1xi32>
    %broadcast_in_dim3A_896 = arith.constant 0 : i32
    %broadcast_in_dim3A_897 = vector.broadcast %broadcast_in_dim3A_896 : i32 to vector<1x1xi32>
    %slice3A_898 = vector.extract_strided_slice %slice3A_895 {offsets = [0, 0], sizes = [31, 1], strides = [1, 1]} : vector<32x1xi32> to vector<31x1xi32>
    %concatenate3A_899 = tpu.concatenate %broadcast_in_dim3A_897, %slice3A_898 in 0 : vector<1x1xi32>, vector<31x1xi32> -> vector<32x1xi32>
    %add3A_900 = arith.addi %slice3A_895, %concatenate3A_899 : vector<32x1xi32>
    %broadcast_in_dim3A_901 = arith.constant 0 : i32
    %broadcast_in_dim3A_902 = vector.broadcast %broadcast_in_dim3A_901 : i32 to vector<2x1xi32>
    %slice3A_903 = vector.extract_strided_slice %add3A_900 {offsets = [0, 0], sizes = [30, 1], strides = [1, 1]} : vector<32x1xi32> to vector<30x1xi32>
    %concatenate3A_904 = tpu.concatenate %broadcast_in_dim3A_902, %slice3A_903 in 0 : vector<2x1xi32>, vector<30x1xi32> -> vector<32x1xi32>
    %add3A_905 = arith.addi %add3A_900, %concatenate3A_904 : vector<32x1xi32>
    %broadcast_in_dim3A_906 = arith.constant 0 : i32
    %broadcast_in_dim3A_907 = vector.broadcast %broadcast_in_dim3A_906 : i32 to vector<4x1xi32>
    %slice3A_908 = vector.extract_strided_slice %add3A_905 {offsets = [0, 0], sizes = [28, 1], strides = [1, 1]} : vector<32x1xi32> to vector<28x1xi32>
    %concatenate3A_909 = tpu.concatenate %broadcast_in_dim3A_907, %slice3A_908 in 0 : vector<4x1xi32>, vector<28x1xi32> -> vector<32x1xi32>
    %add3A_910 = arith.addi %add3A_905, %concatenate3A_909 : vector<32x1xi32>
    %broadcast_in_dim3A_911 = arith.constant 0 : i32
    %broadcast_in_dim3A_912 = vector.broadcast %broadcast_in_dim3A_911 : i32 to vector<8x1xi32>
    %slice3A_913 = vector.extract_strided_slice %add3A_910 {offsets = [0, 0], sizes = [24, 1], strides = [1, 1]} : vector<32x1xi32> to vector<24x1xi32>
    %concatenate3A_914 = tpu.concatenate %broadcast_in_dim3A_912, %slice3A_913 in 0 : vector<8x1xi32>, vector<24x1xi32> -> vector<32x1xi32>
    %add3A_915 = arith.addi %add3A_910, %concatenate3A_914 : vector<32x1xi32>
    %broadcast_in_dim3A_916 = arith.constant 0 : i32
    %broadcast_in_dim3A_917 = vector.broadcast %broadcast_in_dim3A_916 : i32 to vector<16x1xi32>
    %slice3A_918 = vector.extract_strided_slice %add3A_915 {offsets = [0, 0], sizes = [16, 1], strides = [1, 1]} : vector<32x1xi32> to vector<16x1xi32>
    %concatenate3A_919 = tpu.concatenate %broadcast_in_dim3A_917, %slice3A_918 in 0 : vector<16x1xi32>, vector<16x1xi32> -> vector<32x1xi32>
    %add3A_920 = arith.addi %add3A_915, %concatenate3A_919 : vector<32x1xi32>
    %sub3A_921 = arith.subi %add3A_920, %slice3A_895 : vector<32x1xi32>
    %slice3A_922 = vector.extract_strided_slice %sub3A_921 {offsets = [31, 0], sizes = [1, 1], strides = [1, 1]} : vector<32x1xi32> to vector<1x1xi32>
    %squeeze3A_923 = vector.extract %slice3A_922[0, 0] : i32 from vector<1x1xi32>
    %slice3A_924 = vector.extract_strided_slice %slice3A_895 {offsets = [31, 0], sizes = [1, 1], strides = [1, 1]} : vector<32x1xi32> to vector<1x1xi32>
    %squeeze3A_925 = vector.extract %slice3A_924[0, 0] : i32 from vector<1x1xi32>
    %add3A_926 = arith.addi %squeeze3A_923, %squeeze3A_925 : i32
    %mul3A_927 = arith.constant 256 : i32
    %mul3A_928 = arith.muli %add3A_855, %mul3A_927 : i32
    %add3A_929 = vector.broadcast %sub3A_921 : vector<32x1xi32> to vector<32x128xi32>
    %add3A_930 = arith.addi %add3A_929, %add3A_894 : vector<32x128xi32>
    %sub3A_931 = arith.constant 1 : i32
    %sub3A_932 = vector.broadcast %sub3A_931 : i32 to vector<32x128xi32>
    %sub3A_933 = arith.subi %add3A_930, %sub3A_932 : vector<32x128xi32>
    %add3A_934 = vector.broadcast %mul3A_928 : i32 to vector<32x128xi32>
    %add3A_935 = arith.addi %sub3A_933, %add3A_934 : vector<32x128xi32>
    %mul3A_936 = arith.muli %convert_element_type3A_859, %add3A_935 : vector<32x128xi32>
    %add3A_937 = arith.addi %add3A_842, %mul3A_936 : vector<32x128xi32>
    %eq3A_938 = arith.constant 7 : i32
    %eq3A_939 = vector.broadcast %eq3A_938 : i32 to vector<1x8xi32>
    %eq3A_940 = arith.cmpi eq, %iota3A, %eq3A_939 : vector<1x8xi32>
    %jit3A_941 = arith.constant 0 : i32
    %broadcast_in_dim3A_942 = vector.broadcast %add3A_926 : i32 to vector<1x8xi32>
    %broadcast_in_dim3A_943 = vector.broadcast %jit3A_941 : i32 to vector<1x8xi32>
    %select_n3A_944 = arith.select %eq3A_940, %broadcast_in_dim3A_942, %broadcast_in_dim3A_943 : vector<1x8xi1>, vector<1x8xi32>
    %add3A_945 = arith.addi %add3A_850, %select_n3A_944 : vector<1x8xi32>
    %ge3A_946 = vector.broadcast %add3A_855 : i32 to vector<1x23xi32>
    %ge3A_947 = arith.cmpi sge, %iota3A_7, %ge3A_946 : vector<1x23xi32>
    %convert_element_type3A_948 = arith.extui %ge3A_947 : vector<1x23xi1> to vector<1x23xi32>
    %add3A_949 = arith.addi %add3A_854, %convert_element_type3A_948 : vector<1x23xi32>
    %swap3A = arith.constant 0 : index
    %swap3A_950 = arith.constant 0 : index
    %swap3A_951 = vector.load %arg1[%swap3A, %swap3A_950] : memref<1x8xi32, #tpu.memory_space<vmem>>, vector<1x8xi32>
    tpu.vector_store %arg1[%swap3A, %swap3A_950], %add3A_945 {strides = array<i32>} : memref<1x8xi32, #tpu.memory_space<vmem>>, vector<1x8xi32>,
    %swap3A_952 = arith.constant 0 : index
    %swap3A_953 = arith.constant 0 : index
    %swap3A_954 = vector.load %arg2[%swap3A_952, %swap3A_953] : memref<32x128xi32, #tpu.memory_space<vmem>>, vector<32x128xi32>
    tpu.vector_store %arg2[%swap3A_952, %swap3A_953], %add3A_937 {strides = array<i32>} : memref<32x128xi32, #tpu.memory_space<vmem>>, vector<32x128xi32>,
    %sub3A_955 = arith.constant 1 : i32
    %sub3A_956 = vector.broadcast %sub3A_955 : i32 to vector<1x23xi32>
    %sub3A_957 = arith.subi %add3A_949, %sub3A_956 : vector<1x23xi32>
    %jit3A_958 = arith.constant 0 : i32
    %jit3A_959 = arith.constant 7 : i32
    %max3A = vector.broadcast %jit3A_958 : i32 to vector<1x23xi32>
    %max3A_960 = arith.maxsi %max3A, %sub3A_957 : vector<1x23xi32>
    %min3A = vector.broadcast %jit3A_959 : i32 to vector<1x23xi32>
    %min3A_961 = arith.minsi %min3A, %max3A_960 : vector<1x23xi32>
    %swap3A_962 = arith.constant 0 : index
    %swap3A_963 = arith.constant 0 : index
    %swap3A_964 = vector.load %arg3[%swap3A_962, %swap3A_963] : memref<1x23xi32, #tpu.memory_space<vmem>>, vector<1x23xi32>
    tpu.vector_store %arg3[%swap3A_962, %swap3A_963], %min3A_961 {strides = array<i32>} : memref<1x23xi32, #tpu.memory_space<vmem>>, vector<1x23xi32>,
    return
  }
}

module attributes {stable_mosaic.version = 14 : i64} {
  func.func @_gemm_body(%arg0: i32, %arg1: memref<23xi32, #tpu.memory_space<smem>>, %arg2: memref<256x1024xf32, #tpu.memory_space<vmem>>, %arg3: memref<1x1024x1024xf32, #tpu.memory_space<vmem>>, %arg4: memref<1x1024x1024xf32, #tpu.memory_space<vmem>>, %arg5: memref<256x512xi32, #tpu.memory_space<vmem>>) attributes {dimension_semantics = [#tpu.dimension_semantics<arbitrary>], iteration_bounds = array<i64: 23>, scalar_prefetch = 1 : i64, scratch_operands = 0 : i64, tpu.core_type = #tpu.core_type<tc>, window_params = [{transform_indices = @transform_0, window_bounds = array<i64: 256, 1024>}, {transform_indices = @transform_1, window_bounds = array<i64: 1, 1024, 1024>}, {transform_indices = @transform_2, window_bounds = array<i64: 1, 1024, 1024>}, {transform_indices = @transform_3, window_bounds = array<i64: 256, 512>}]} {
    %get3A = arith.constant 0 : index
    %get3A_0 = arith.constant 0 : index
    %get3A_1 = vector.load %arg2[%get3A, %get3A_0] : memref<256x1024xf32, #tpu.memory_space<vmem>>, vector<256x1024xf32>
    %get3A_2 = arith.constant 0 : index
    %get3A_3 = arith.constant 0 : index
    %get3A_4 = arith.constant 0 : index
    %get3A_5 = vector.load %arg3[%get3A_2, %get3A_3, %get3A_4] : memref<1x1024x1024xf32, #tpu.memory_space<vmem>>, vector<1x1024x1024xf32>
    %get3A_6 = vector.shape_cast %get3A_5 : vector<1x1024x1024xf32> to vector<1024x1024xf32>
    %dot_general3A = arith.constant dense<0.000000e+00> : vector<256x1024xf32>
    %dot_general3A_7 = tpu.matmul %get3A_1, %get3A_6, %dot_general3A {dimension_numbers = #tpu.dot_dimension_numbers<[1], [0], [0], [1], [0, 0, 1, 1], [], []>, transpose_lhs_hint = false} : vector<256x1024xf32>, vector<1024x1024xf32>, vector<256x1024xf32> -> vector<256x1024xf32>
    %max3A = arith.constant 0.000000e+00 : f32
    %max3A_8 = vector.broadcast %max3A : f32 to vector<256x1024xf32>
    %max3A_9 = arith.maximumf %dot_general3A_7, %max3A_8 : vector<256x1024xf32>
    %get3A_10 = arith.constant 0 : index
    %get3A_11 = arith.constant 0 : index
    %get3A_12 = arith.constant 0 : index
    %get3A_13 = vector.load %arg4[%get3A_10, %get3A_11, %get3A_12] : memref<1x1024x1024xf32, #tpu.memory_space<vmem>>, vector<1x1024x1024xf32>
    %get3A_14 = vector.shape_cast %get3A_13 : vector<1x1024x1024xf32> to vector<1024x1024xf32>
    %dot_general3A_15 = arith.constant dense<0.000000e+00> : vector<256x1024xf32>
    %dot_general3A_16 = tpu.matmul %max3A_9, %get3A_14, %dot_general3A_15 {dimension_numbers = #tpu.dot_dimension_numbers<[1], [0], [0], [1], [0, 0, 1, 1], [], []>, transpose_lhs_hint = false} : vector<256x1024xf32>, vector<1024x1024xf32>, vector<256x1024xf32> -> vector<256x1024xf32>
    %slice3A = vector.extract_strided_slice %dot_general3A_16 {offsets = [0, 0], sizes = [256, 512], strides = [1, 1]} : vector<256x1024xf32> to vector<256x512xf32>
    %slice3A_17 = vector.extract_strided_slice %dot_general3A_16 {offsets = [0, 512], sizes = [256, 512], strides = [1, 1]} : vector<256x1024xf32> to vector<256x512xf32>
    %bitcast_convert_type3A = tpu.bitcast %slice3A : vector<256x512xf32> -> vector<256x512xi32>
    %add3A = arith.constant 32767 : i32
    %add3A_18 = vector.broadcast %add3A : i32 to vector<256x512xi32>
    %add3A_19 = arith.addi %bitcast_convert_type3A, %add3A_18 : vector<256x512xi32>
    %shift_right_logical3A = arith.constant 16 : i32
    %shift_right_logical3A_20 = vector.broadcast %shift_right_logical3A : i32 to vector<256x512xi32>
    %shift_right_logical3A_21 = arith.shrui %bitcast_convert_type3A, %shift_right_logical3A_20 : vector<256x512xi32>
    %and3A = arith.constant 1 : i32
    %and3A_22 = vector.broadcast %and3A : i32 to vector<256x512xi32>
    %and3A_23 = arith.andi %shift_right_logical3A_21, %and3A_22 : vector<256x512xi32>
    %add3A_24 = arith.addi %add3A_19, %and3A_23 : vector<256x512xi32>
    %shift_right_logical3A_25 = arith.constant 16 : i32
    %shift_right_logical3A_26 = vector.broadcast %shift_right_logical3A_25 : i32 to vector<256x512xi32>
    %shift_right_logical3A_27 = arith.shrui %add3A_24, %shift_right_logical3A_26 : vector<256x512xi32>
    %bitcast_convert_type3A_28 = tpu.bitcast %slice3A_17 : vector<256x512xf32> -> vector<256x512xi32>
    %add3A_29 = arith.constant 32767 : i32
    %add3A_30 = vector.broadcast %add3A_29 : i32 to vector<256x512xi32>
    %add3A_31 = arith.addi %bitcast_convert_type3A_28, %add3A_30 : vector<256x512xi32>
    %shift_right_logical3A_32 = arith.constant 16 : i32
    %shift_right_logical3A_33 = vector.broadcast %shift_right_logical3A_32 : i32 to vector<256x512xi32>
    %shift_right_logical3A_34 = arith.shrui %bitcast_convert_type3A_28, %shift_right_logical3A_33 : vector<256x512xi32>
    %and3A_35 = arith.constant 1 : i32
    %and3A_36 = vector.broadcast %and3A_35 : i32 to vector<256x512xi32>
    %and3A_37 = arith.andi %shift_right_logical3A_34, %and3A_36 : vector<256x512xi32>
    %add3A_38 = arith.addi %add3A_31, %and3A_37 : vector<256x512xi32>
    %and3A_39 = arith.constant -65536 : i32
    %and3A_40 = vector.broadcast %and3A_39 : i32 to vector<256x512xi32>
    %and3A_41 = arith.andi %add3A_38, %and3A_40 : vector<256x512xi32>
    %or3A = arith.ori %shift_right_logical3A_27, %and3A_41 : vector<256x512xi32>
    %bitcast_convert_type3A_42 = tpu.bitcast %or3A : vector<256x512xi32> -> vector<256x512xi32>
    %swap3A = arith.constant 0 : index
    %swap3A_43 = arith.constant 0 : index
    %swap3A_44 = vector.load %arg5[%swap3A, %swap3A_43] : memref<256x512xi32, #tpu.memory_space<vmem>>, vector<256x512xi32>
    tpu.vector_store %arg5[%swap3A, %swap3A_43], %bitcast_convert_type3A_42 {strides = array<i32>} : memref<256x512xi32, #tpu.memory_space<vmem>>, vector<256x512xi32>,
    return
  }
  func.func @transform_0(%arg0: i32, %arg1: memref<23xi32, #tpu.memory_space<smem>>) -> (i32, i32) {
    %c0_i32 = arith.constant 0 : i32
    %c0_i32_0 = arith.constant 0 : i32
    return %arg0, %c0_i32 : i32, i32
  }
  func.func @transform_1(%arg0: i32, %arg1: memref<23xi32, #tpu.memory_space<smem>>) -> (i32, i32, i32) {
    %get3A = arith.index_cast %arg0 : i32 to index
    %get3A_0 = memref.load %arg1[%get3A] : memref<23xi32, #tpu.memory_space<smem>>
    %c0_i32 = arith.constant 0 : i32
    %c0_i32_1 = arith.constant 0 : i32
    %c0_i32_2 = arith.constant 0 : i32
    return %get3A_0, %c0_i32, %c0_i32_1 : i32, i32, i32
  }
  func.func @transform_2(%arg0: i32, %arg1: memref<23xi32, #tpu.memory_space<smem>>) -> (i32, i32, i32) {
    %get3A = arith.index_cast %arg0 : i32 to index
    %get3A_0 = memref.load %arg1[%get3A] : memref<23xi32, #tpu.memory_space<smem>>
    %c0_i32 = arith.constant 0 : i32
    %c0_i32_1 = arith.constant 0 : i32
    %c0_i32_2 = arith.constant 0 : i32
    return %get3A_0, %c0_i32, %c0_i32_1 : i32, i32, i32
  }
  func.func @transform_3(%arg0: i32, %arg1: memref<23xi32, #tpu.memory_space<smem>>) -> (i32, i32) {
    %c0_i32 = arith.constant 0 : i32
    %c0_i32_0 = arith.constant 0 : i32
    return %arg0, %c0_i32 : i32, i32
  }
}

module attributes {stable_mosaic.version = 14 : i64} {
  func.func @_combine_body(%arg0: i32, %arg1: memref<256x512xi32, #tpu.memory_space<vmem>>, %arg2: memref<256x512xi32, #tpu.memory_space<vmem>>, %arg3: memref<256x2xf32, #tpu.memory_space<vmem>>, %arg4: memref<256x1024xf32, #tpu.memory_space<vmem>>) attributes {dimension_semantics = [#tpu.dimension_semantics<arbitrary>], iteration_bounds = array<i64: 8>, scalar_prefetch = 0 : i64, scratch_operands = 0 : i64, tpu.core_type = #tpu.core_type<tc>, window_params = [{transform_indices = @transform_0, window_bounds = array<i64: 256, 512>}, {transform_indices = @transform_1, window_bounds = array<i64: 256, 512>}, {transform_indices = @transform_2, window_bounds = array<i64: 256, 2>}, {transform_indices = @transform_3, window_bounds = array<i64: 256, 1024>}]} {
    %get3A = arith.constant 0 : index
    %get3A_0 = arith.constant 0 : index
    %get3A_1 = vector.load %arg3[%get3A, %get3A_0] : memref<256x2xf32, #tpu.memory_space<vmem>>, vector<256x2xf32>
    %slice3A = vector.extract_strided_slice %get3A_1 {offsets = [0, 0], sizes = [256, 1], strides = [1, 1]} : vector<256x2xf32> to vector<256x1xf32>
    %squeeze3A = vector.shape_cast %slice3A : vector<256x1xf32> to vector<256xf32>
    %broadcast_in_dim3A = vector.shape_cast %squeeze3A : vector<256xf32> to vector<256x1xf32>
    %slice3A_2 = vector.extract_strided_slice %get3A_1 {offsets = [0, 1], sizes = [256, 1], strides = [1, 1]} : vector<256x2xf32> to vector<256x1xf32>
    %squeeze3A_3 = vector.shape_cast %slice3A_2 : vector<256x1xf32> to vector<256xf32>
    %broadcast_in_dim3A_4 = vector.shape_cast %squeeze3A_3 : vector<256xf32> to vector<256x1xf32>
    %get3A_5 = arith.constant 0 : index
    %get3A_6 = arith.constant 0 : index
    %get3A_7 = vector.load %arg1[%get3A_5, %get3A_6] : memref<256x512xi32, #tpu.memory_space<vmem>>, vector<256x512xi32>
    %bitcast_convert_type3A = tpu.bitcast %get3A_7 : vector<256x512xi32> -> vector<256x512xi32>
    %shift_left3A = arith.constant 16 : i32
    %shift_left3A_8 = vector.broadcast %shift_left3A : i32 to vector<256x512xi32>
    %shift_left3A_9 = arith.shli %bitcast_convert_type3A, %shift_left3A_8 : vector<256x512xi32>
    %bitcast_convert_type3A_10 = tpu.bitcast %shift_left3A_9 : vector<256x512xi32> -> vector<256x512xf32>
    %and3A = arith.constant -65536 : i32
    %and3A_11 = vector.broadcast %and3A : i32 to vector<256x512xi32>
    %and3A_12 = arith.andi %bitcast_convert_type3A, %and3A_11 : vector<256x512xi32>
    %bitcast_convert_type3A_13 = tpu.bitcast %and3A_12 : vector<256x512xi32> -> vector<256x512xf32>
    %get3A_14 = arith.constant 0 : index
    %get3A_15 = arith.constant 0 : index
    %get3A_16 = vector.load %arg2[%get3A_14, %get3A_15] : memref<256x512xi32, #tpu.memory_space<vmem>>, vector<256x512xi32>
    %bitcast_convert_type3A_17 = tpu.bitcast %get3A_16 : vector<256x512xi32> -> vector<256x512xi32>
    %shift_left3A_18 = arith.constant 16 : i32
    %shift_left3A_19 = vector.broadcast %shift_left3A_18 : i32 to vector<256x512xi32>
    %shift_left3A_20 = arith.shli %bitcast_convert_type3A_17, %shift_left3A_19 : vector<256x512xi32>
    %bitcast_convert_type3A_21 = tpu.bitcast %shift_left3A_20 : vector<256x512xi32> -> vector<256x512xf32>
    %and3A_22 = arith.constant -65536 : i32
    %and3A_23 = vector.broadcast %and3A_22 : i32 to vector<256x512xi32>
    %and3A_24 = arith.andi %bitcast_convert_type3A_17, %and3A_23 : vector<256x512xi32>
    %bitcast_convert_type3A_25 = tpu.bitcast %and3A_24 : vector<256x512xi32> -> vector<256x512xf32>
    %mul3A = vector.broadcast %broadcast_in_dim3A : vector<256x1xf32> to vector<256x512xf32>
    %mul3A_26 = arith.mulf %bitcast_convert_type3A_10, %mul3A : vector<256x512xf32>
    %mul3A_27 = vector.broadcast %broadcast_in_dim3A_4 : vector<256x1xf32> to vector<256x512xf32>
    %mul3A_28 = arith.mulf %bitcast_convert_type3A_21, %mul3A_27 : vector<256x512xf32>
    %add3A = arith.addf %mul3A_26, %mul3A_28 : vector<256x512xf32>
    %swap3A = arith.constant 0 : index
    %swap3A_29 = arith.constant 0 : index
    %swap3A_30 = vector.load %arg4[%swap3A, %swap3A_29] : memref<256x1024xf32, #tpu.memory_space<vmem>>, vector<256x512xf32>
    tpu.vector_store %arg4[%swap3A, %swap3A_29], %add3A {strides = array<i32>} : memref<256x1024xf32, #tpu.memory_space<vmem>>, vector<256x512xf32>,
    %mul3A_31 = vector.broadcast %broadcast_in_dim3A : vector<256x1xf32> to vector<256x512xf32>
    %mul3A_32 = arith.mulf %bitcast_convert_type3A_13, %mul3A_31 : vector<256x512xf32>
    %mul3A_33 = vector.broadcast %broadcast_in_dim3A_4 : vector<256x1xf32> to vector<256x512xf32>
    %mul3A_34 = arith.mulf %bitcast_convert_type3A_25, %mul3A_33 : vector<256x512xf32>
    %add3A_35 = arith.addf %mul3A_32, %mul3A_34 : vector<256x512xf32>
    %swap3A_36 = arith.constant 0 : index
    %swap3A_37 = arith.constant 512 : index
    %swap3A_38 = vector.load %arg4[%swap3A_36, %swap3A_37] : memref<256x1024xf32, #tpu.memory_space<vmem>>, vector<256x512xf32>
    tpu.vector_store %arg4[%swap3A_36, %swap3A_37], %add3A_35 {strides = array<i32>} : memref<256x1024xf32, #tpu.memory_space<vmem>>, vector<256x512xf32>,
    return
  }
  func.func @transform_0(%arg0: i32) -> (i32, i32) {
    %c0_i32 = arith.constant 0 : i32
    %c0_i32_0 = arith.constant 0 : i32
    return %arg0, %c0_i32 : i32, i32
  }
  func.func @transform_1(%arg0: i32) -> (i32, i32) {
    %c0_i32 = arith.constant 0 : i32
    %c0_i32_0 = arith.constant 0 : i32
    return %arg0, %c0_i32 : i32, i32
  }
  func.func @transform_2(%arg0: i32) -> (i32, i32) {
    %c0_i32 = arith.constant 0 : i32
    %c0_i32_0 = arith.constant 0 : i32
    return %arg0, %c0_i32 : i32, i32
  }
  func.func @transform_3(%arg0: i32) -> (i32, i32) {
    %c0_i32 = arith.constant 0 : i32
    %c0_i32_0 = arith.constant 0 : i32
    return %arg0, %c0_i32 : i32, i32
  }
}

</mosaic_0001>

<sc_bundles>
// kernel: kernel.10.cloned.1.call-start
scs
__scs_entry_jumppad:
0x0: {  	(pc) =	sbr.rel $0x88, $3  }
0x1: {  	(tag) =	ssettag $0x0;
	lr =	simm.s32 $0x1  }
0x2: {  	[smem:$0x3F9C] =	sst lr;
	_ =	strace $0xD0000000  }
0x3: {  	_ = 	snop  }
0x4: {  	_ = 	snop  }
0x5: {  	_ = 	snop  }
0x6: {  	_ = 	snop  }
0x7: {  	_ = 	snop  }
__scs_overlays_trampoline_lowered:
0x8: {  	[smem:$0x3FAB] =	sst s0  }
0x9: {  	[smem:$0x3FAC] =	sst s1  }
0xa: {  	[smem:$0x3FAD] =	sst s2  }
0xb: {  	[smem:$0x3FAE] =	sst s3  }
0xc: {  	[smem:$0x3FAF] =	sst s4  }
0xd: {  	[smem:$0x3FB0] =	sst s5  }
0xe: {  	[smem:$0x3FB1] =	sst s6  }
0xf: {  	[smem:$0x3FB2] =	sst s7  }
0x10: {  	[smem:$0x3FB3] =	sst s8  }
0x11: {  	[smem:$0x3FB4] =	sst s9;
	s0 =	simm.s32 @!p0 $0x0  }
0x12: {  	s1 =	sld [smem:$0x3F9A];
	s0 =	simm.s32 @p0 $0x1  }
0x13: {  	[smem:$0x3FB5] =	sst s0;
	s0 =	simm.s32 @!p1 $0x0  }
0x14: {  	s2 =	sld [smem:$0x3F99];
	s0 =	simm.s32 @p1 $0x1  }
0x15: {  	[smem:$0x3FB6] =	sst s0;
	s0 =	simm.s32 @!p2 $0x0  }
0x16: {  	s3 =	sld [smem:$0x3FDB];
	s0 =	simm.s32 @p2 $0x1  }
0x17: {  	s4 =	simm.s32 $0x1BF5;
	[smem:$0x3FB8] =	sst s0  }
0x18: {  	s0 =	sld [smem:$0x3F9B];
	_ =	swait.ge [sflag:s4], $0x0  }
0x19: {  	s7 =	sld [smem:$0x3F9C]  }
0x1a: {  	s8 =	sadd.s32 $0xFFFFE003, lr  }
0x1b: {  	s9 =	sadd.s32 $0xFFFFFEF7, lr;
	s5 =	simm.s32 $0xFFFFFFFF;
	p2 =	slt.u32 s8, $0xFFFFF086  }
0x1c: {  	p1 =	slt.u32 s9, $0xF7A;
	s5 =	simm.s32 @!p2 $0x0  }
0x1d: {  	s5 =	simm.s32 @p1 $0x1;
	p0 =	seq.s32 s7, s2  }
0x1e: {  	s7 =	smul.u32 @!p0 $0xF7A, s2;
	p2 =	seq.s32 @!p0 s5, $0x0  }
0x1f: {  	s9 =	smul.u32 $0xF7A, s1;
	s8 =	simm.s32 @!p0 $0x1BF5;
	p2 =	por !p2, p0  }
0x20: {  	[sflag:s8] =	ssyncset.s32 @!p0 $0xFFFFF086;
	s6 =	sadd.s32 @!p0 s3, s7;
	s7 =	simm.s32 @!p0 $0x108  }
0x21: {  	s3 =	sadd.s32 s3, s9;
	s6 =	sadd.s32 @!p0 $0x88, s6;
	s7 =	simm.s32 @p2 $0x1082  }
0x22: {  	[simem:s7], [sflag:s8] =	dma.local @!p0 [hbm:s6], $0xF7A  }
0x23: {  	s9 =	sor.u32 $0xD0000000, s2;
	s6 =	simm.s32 $0x108;
	_ =	swait.ge @!p0 [sflag:s8], $0x0  }
0x24: {  	s3 =	sadd.s32 $0x88, s3;
	s6 =	simm.s32 @!p1 $0x1082;
	[sflag:s4] =	ssyncset.s32 $0xFFFFF086  }
0x25: {  	[simem:s6], [sflag:s4] =	dma.local [hbm:s3], $0xF7A  }
0x26: {  	[smem:$0x3F9C] =	sst s1;
	(tag) =	ssettag s2;
	_ =	strace s9  }
0x27: {  	s1 =	sld [smem:$0x3FAC]  }
0x28: {  	s2 =	sld [smem:$0x3FAD]  }
0x29: {  	s4 =	sld [smem:$0x3FAF]  }
0x2a: {  	p0 =	seq.s32 s5, $0x0;
	s5 =	sld [smem:$0x3FB0]  }
0x2b: {  	s6 =	sld [smem:$0x3FB1]  }
0x2c: {  	s7 =	sld [smem:$0x3FB2]  }
0x2d: {  	s3 =	simm.s32 $0x108;
	s8 =	sld [smem:$0x3FB3]  }
0x2e: {  	s3 =	simm.s32 @!p0 $0x1082;
	s9 =	sld [smem:$0x3FB4]  }
0x2f: {  	lr =	sadd.s32 s0, s3;
	s0 =	sld [smem:$0x3FAB]  }
0x30: {  	s3 =	sld [smem:$0x3FAE]  }
0x31: {  	[smem:$0x3FB7] =	sst s10  }
0x32: {  	s10 =	sld [smem:$0x3FB5];
	_ =	sdelay $0x3  }
0x33: {  	p0 =	seq.s32 s10, $0x1;
	s10 =	sld [smem:$0x3FB7];
	_ =	sdelay $0x3  }
0x34: {  	[smem:$0x3FB7] =	sst s10  }
0x35: {  	s10 =	sld [smem:$0x3FB6];
	_ =	sdelay $0x3  }
0x36: {  	p1 =	seq.s32 s10, $0x1;
	s10 =	sld [smem:$0x3FB7];
	_ =	sdelay $0x3  }
0x37: {  	[smem:$0x3FB7] =	sst s10  }
0x38: {  	s10 =	sld [smem:$0x3FB8]  }
0x39: {  	_ = 	snop;
	(pc) =	sbr.ind lr, $3  }
0x3a: {  	_ = 	snop  }
0x3b: {  	_ = 	snop  }
0x3c: {  	p2 =	seq.s32 s10, $0x1;
	s10 =	sld [smem:$0x3FB7]  }
0x3d: {  	_ =	shalt  }
0x3e: {  	_ =	shalt  }
0x3f: {  	_ =	shalt  }
0x40: {  	_ =	shalt  }
0x41: {  	_ =	shalt  }
0x42: {  	_ =	shalt  }
0x43: {  	_ =	shalt  }
0x44: {  	_ =	shalt  }
0x45: {  	_ =	shalt  }
0x46: {  	_ =	shalt  }
0x47: {  	_ =	shalt  }
0x48: {  	_ =	shalt  }
0x49: {  	_ =	shalt  }
0x4a: {  	_ =	shalt  }
0x4b: {  	_ =	shalt  }
0x4c: {  	_ =	shalt  }
0x4d: {  	_ =	shalt  }
0x4e: {  	_ =	shalt  }
0x4f: {  	_ =	shalt  }
0x50: {  	_ =	shalt  }
0x51: {  	_ =	shalt  }
0x52: {  	_ =	shalt  }
0x53: {  	_ =	shalt  }
0x54: {  	_ =	shalt  }
0x55: {  	_ =	shalt  }
0x56: {  	_ =	shalt  }
0x57: {  	_ =	shalt  }
0x58: {  	_ =	shalt  }
0x59: {  	_ =	shalt  }
0x5a: {  	_ =	shalt  }
0x5b: {  	_ =	shalt  }
0x5c: {  	_ =	shalt  }
0x5d: {  	_ =	shalt  }
0x5e: {  	_ =	shalt  }
0x5f: {  	_ =	shalt  }
0x60: {  	_ =	shalt  }
0x61: {  	_ =	shalt  }
0x62: {  	_ =	shalt  }
0x63: {  	_ =	shalt  }
0x64: {  	_ =	shalt  }
0x65: {  	_ =	shalt  }
0x66: {  	_ =	shalt  }
0x67: {  	_ =	shalt  }
0x68: {  	_ =	shalt  }
0x69: {  	_ =	shalt  }
0x6a: {  	_ =	shalt  }
0x6b: {  	_ =	shalt  }
0x6c: {  	_ =	shalt  }
0x6d: {  	_ =	shalt  }
0x6e: {  	_ =	shalt  }
0x6f: {  	_ =	shalt  }
0x70: {  	_ =	shalt  }
0x71: {  	_ =	shalt  }
0x72: {  	_ =	shalt  }
0x73: {  	_ =	shalt  }
0x74: {  	_ =	shalt  }
0x75: {  	_ =	shalt  }
0x76: {  	_ =	shalt  }
0x77: {  	_ =	shalt  }
0x78: {  	_ =	shalt  }
0x79: {  	_ =	shalt  }
0x7a: {  	_ =	shalt  }
0x7b: {  	_ =	shalt  }
0x7c: {  	_ =	shalt  }
0x7d: {  	_ =	shalt  }
0x7e: {  	_ =	shalt  }
0x7f: {  	_ =	shalt  }
0x80: {  	_ =	shalt  }
0x81: {  	_ =	shalt  }
0x82: {  	_ =	shalt  }
0x83: {  	_ =	shalt  }
0x84: {  	_ =	shalt  }
0x85: {  	_ =	shalt  }
0x86: {  	_ =	shalt  }
0x87: {  	_ =	shalt  }
.Lfunc_end0:
.L_simem_size_0:
called_computation.1_lowered:
.L_overlay_start_0:
0x88: {  	s2 =	sld [smem:$0x3FD9]  }
0x89: {  	s3 =	sld [smem:$0x3FFE];
	_ =	sdelay $0x1  }
0x8a: {  	s1 =	srdreg.scid  }
0x8b: {  	s0 =	sand.u32 $0x1, s1  }
0x8c: {  	s14 =	sshll.u32 s0, $0xA;
	s2 =	sadd.s32 s3, s2  }
0x8d: {  	s2 =	sadd.s32 s2, s14  }
0x8e: {  	[smem:$0x3FC3] =	sst s2  }
0x8f: {  	_ = 	snop  }
0x90: {  	s2 =	sld [smem:$0x3FD0];
	_ =	sdelay $0x2  }
0x91: {  	s15 =	simm.s32 $0xA;
	s4 =	simm.s32 $0x10  }
0x92: {  	[smem:s4], [sflag:s15] =	dma.local [hbm:s2], $0x1  }
0x93: {  	_ =	swait.eq [sflag:s15], $0x1  }
0x94: {  	[sflag:s15] =	ssyncset.done $0x0  }
0x95: {  	[sflag:s15] =	ssyncadd.s32 $0xFFFFFFFF  }
0x96: {  	s16 =	sld [smem:$0x10];
	(tm) =	ssettm $0x1  }
0x97: {  	s17 =	sld [smem:$0x3FFB];
	_ =	sdelay $0x3  }
0x98: {  	_ =	strace s17  }
0x99: {  	s3 =	sld [smem:$0x3FFC];
	_ =	sdelay $0x3  }
0x9a: {  	_ =	strace s3  }
0x9b: {  	s3 =	sld [smem:$0x3FFD];
	_ =	sdelay $0x3  }
0x9c: {  	_ =	strace s3  }
0x9d: {  	_ =	strace $0x8FFFFFFF  }
0x9e: {  	s18 =	sld [smem:$0x3FDB];
	_ =	sdelay $0x1  }
0x9f: {  	s19 =	simm.s32 $_scs_section_size  }
0xa0: {  	s5 =	simm.s32 $_size__tile_overlayer_lowered;
	s6 =	simm.s32 $_tile_overlayer_lowered  }
0xa1: {  	s22 =	simm.s32 $0x1BFF;
	s21 =	sshll.u32 s6, $0x1;
	s3 =	sadd.s32 s19, s18  }
0xa2: {  	s7 =	simm.s32 $0x0;
	s20 =	sshll.u32 s5, $0x1;
	s5 =	sadd.s32 s21, s3  }
0xa3: {  	[timem:s7], [sflag:s22] =	dma.local [hbm:s5], s20  }
0xa4: {  	_ =	swait.ge [sflag:s22], s20  }
0xa5: {  	s4 =	ssub.s32 $0x0, s20;
	[sflag:s22] =	ssyncset.done $0x0  }
0xa6: {  	[sflag:s22] =	ssyncadd.s32 s4;
	_ =	sdelay $0x1  }
0xa7: {  	s23 =	simm.s32 $0x1B8B  }
0xa8: {  	_ =	swait.ge [sflag:s23], $0x1  }
0xa9: {  	[sflag:s23] =	ssyncset.done $0x0  }
0xaa: {  	s25 =	simm.s32 $0x1B8E;
	s24 =	sld [smem:$0x3FFE];
	[sflag:s23] =	ssyncadd.s32 $0xFFFFFFFF  }
0xab: {  	s26 =	simm.s32 $execute0_lowered;
	[smem:$0x3FD2] =	sst s25  }
0xac: {  	s5 =	sshll.u32 s26, $0x1;
	_ =	strace $0x80000049;
	[dreg:$0x1] =	wrdreg $0xFFFFFFFF  }
0xad: {  	s28 =	simm.s32 $_size_execute0_lowered;
	s3 =	sadd.s32 s3, s5;
	[dreg:$0x0] =	wrdreg $0x0  }
0xae: {  	s5 =	sshll.u32 s28, $0x1;
	[dreg:$0x2] =	wrdreg s3  }
0xaf: {  	[dreg:$0x3] =	wrdreg s5  }
0xb0: {  	[dreg:$0x4] =	wrdreg $0xC0  }
0xb1: {  	_ =	task [dreg:s7], $0x5FFFF  }
0xb2: {  	[dreg:$0x1] =	wrdreg $0xFFFFFFFF  }
0xb3: {  	[dreg:$0x0] =	wrdreg $0x60  }
0xb4: {  	[dreg:$0x2] =	wrdreg s24  }
0xb5: {  	[dreg:$0x3] =	wrdreg s16  }
0xb6: {  	[dreg:$0x4] =	wrdreg $0x9  }
0xb7: {  	_ =	task.clear_ibuf [dreg:s7], $0x5FFFF;
	_ =	strace $0x90000049  }
0xb8: {  	s29 =	simm.s32 $0x9;
	_ =	strace $0x8000004B  }
0xb9: {  	_ =	swait.ge [sflag:s29], $0x1  }
0xba: {  	[sflag:s29] =	ssyncadd.s32 $0xFFFFFFFF  }
0xbb: {  	_ =	strace $0x9000004B  }
0xbc: {  	_ =	sfence  }
0xbd: {  	s30 =	sld [smem:$0x0];
	_ =	sdelay $0x2  }
0xbe: {  	s31 =	sshll.u32 s1, $0xD;
	s1 =	sshrl.u32 s1, $0x2  }
0xbf: {  	s3 =	sand.u32 $0x4000, s31;
	s1 =	sadd.s32 s1, s30  }
0xc0: {  	s0 =	sor.u32 s3, s0;
	s1 =	sshll.u32 s1, $0x11  }
0xc1: {  	s0 =	sor.u32 s1, s0  }
0xc2: {  	s0 =	sadd.s32 $0x8F2B, s0  }
0xc3: {  	[sflag:s0] =	ssyncadd.remote.s32 $0x1  }
0xc4: {  	_ =	sfence.sel $0xFFFF  }
0xc5: {  	[dreg:$0x0] =	wrdreg $0xFFFFFFFF;
	(pc) =	sbr.abs _section_cstart, $3  }
0xc6: {  	[dreg:$0x1] =	wrdreg $0xFFFFFFFF  }
0xc7: {  	_ =	task.clear_ibuf [dreg:s7], $0x2FFFF;
	_ =	strace $0x9FFFFFFF  }
0xc8: {  	(tm) =	ssettm $0x7FFFFFFF  }
0xc9: {  	_ =	shalt  }
tec
execute0_lowered:
.L_overlay_start_1:
0x0: {  	(tag) =	ssettag $0x1  }
0x1: {  	s1 =	srdreg.scid  }
0x2: {  	s0 =	stileid.u32;
	s4 =	rddreg [dreg:$0x0]  }
0x3: {  	s5 =	rddreg [dreg:$0x1];
	s17 =	simm.s32 $0x80;
	s18 =	simm.s32 $0x900  }
0x4: {  	s19 =	simm.s32 $0x1100;
	s20 =	simm.s32 $0x1900;
	s21 =	simm.s32 $0x2100  }
0x5: {  	s23 =	simm.s32 $0x2900;
	s24 =	simm.s32 $0x3100;
	s25 =	simm.s32 $0x3900  }
0x6: {  	s26 =	simm.s32 $0x4100;
	s9 =	simm.s32 $0x5100;
	s1 =	sand.u32 $0x1, s1  }
0x7: {  	s10 =	simm.s32 $0x5900;
	s2 =	sshll.u32 s0, $0x7;
	s3 =	sshll.u32 s1, $0x6  }
0x8: {  	s11 =	simm.s32 $0x6100;
	s3 =	sor.u32 s3, s2;
	s2 =	simm.s32 $0x0  }
0x9: {  	s12 =	simm.s32 $0x6900;
	s13 =	simm.s32 $0x7100;
	[smem:$0x7FF] =	sst s2  }
0xa: {  	s14 =	simm.s32 $0x7900;
	_ =	strace $0x8000004A;
	[dreg:$0x7] =	wrdreg s17  }
0xb: {  	s28 =	simm.s32 $0xE100;
	s29 =	simm.s32 $0xE900;
	[dreg:$0x8] =	wrdreg s18  }
0xc: {  	s30 =	simm.s32 $0xF100;
	s1 =	ssub.s32 $0x2, s1;
	[dreg:$0x9] =	wrdreg s19  }
0xd: {  	s31 =	simm.s32 $0xF900;
	s22 =	sshrl.u32 s1, $0x1;
	[dreg:$0xa] =	wrdreg s20  }
0xe: {  	s6 =	sshrl.u32 s3, $0x3;
	s3 =	sshll.u32 s3, $0x6;
	[dreg:$0xb] =	wrdreg s21  }
0xf: {  	s1 =	ssub.s32 s1, s22;
	s22 =	simm.s32 $0xB900;
	[dreg:$0xc] =	wrdreg s23  }
0x10: {  	s6 =	sadd.s32 s6, s4;
	s15 =	sadd.s32 s3, s4;
	[dreg:$0xd] =	wrdreg s24  }
0x11: {  	s3 =	sadd.s32 s5, s3;
	s5 =	smax.u32 s1, $0x1;
	[dreg:$0xe] =	wrdreg s25  }
0x12: {  	[dreg:$0xf] =	wrdreg s26;
	s17 =	simm.s32 $0x9100;
	s18 =	simm.s32 $0x9900  }
0x13: {  	s19 =	simm.s32 $0xA100;
	s20 =	simm.s32 $0xA900;
	s21 =	simm.s32 $0xB100  }
0x14: {  	s23 =	simm.s32 $0xC100;
	s24 =	simm.s32 $0xC900;
	s25 =	simm.s32 $0xD100  }
0x15: {  	s26 =	simm.s32 $0xD900;
	s7 =	sadd.s32 $0x1800, s6;
	[dreg:$0x5] =	wrdreg s3  }
0x16: {  	s1 =	simm.s32 $0x1;
	s6 =	sadd.s32 $0x1900, s6;
	[dreg:$0x3] =	wrdreg s7  }
0x17: {  	v2 =	vlaneseq.u32;
	s16 =	sadd.s32 $0x5DA00, s15;
	s3 =	sadd.s32 $0x1A00, s4;
	[dreg:$0x4] =	wrdreg s6  }
0x18: {  	vm0 =	vmmov $0xffff;
	v1 =	vshrl.u32 v2, $0x3;
	s4 =	sadd.s32 $0x1B00, s4;
	s15 =	simm.s32 $0x8100;
	[dreg:$0x6] =	wrdreg s16  }
0x19: {  	v0 =	vand.u32 $0x7, v2;
	v2 =	vor.u32 $0x8, v2;
	v1 =	vmul.u32 $0x8, v1;
	s6 =	simm.s32 $0x2;
	s7 =	simm.s32 $0x100;
	s16 =	simm.s32 $0x8900  }
.LBB2_1:
0x1a: {  	s0 =	rddreg [dreg:$0x3]  }
0x1b: {  	[tilespmem:s2], [sflag:$0x2] =	stream.linear.gather [hbm4b:s0+s2], $0x40, $0x38;
	[tilespmem:$0x10100] =	vst v63  }
0x1c: {  	_ =	swait.ge [sflag:s6], $0x40  }
0x1d: {  	s0 =	rddreg [dreg:$0x4];
	[sflag:s6] =	ssyncset.done $0x0  }
0x1e: {  	s8 =	rddreg [dreg:$0x7];
	[sflag:s6] =	ssyncadd.s32 $0xFFFFFFC0  }
0x1f: {  	[tilespmem:s8], [sflag:$0x2] =	stream.linear.gather [hbm4b:s0+s2], $0x40, $0x38;
	[tilespmem:$0x10100] =	vst v63  }
0x20: {  	_ =	swait.ge [sflag:s6], $0x40  }
0x21: {  	[sflag:s6] =	ssyncset.done $0x0  }
0x22: {  	[sflag:s6] =	ssyncadd.s32 $0xFFFFFFC0  }
0x23: {  	v3 =	vld [tilespmem:$0x0];
	_ =	sdelay $0x4  }
0x24: {  	v4 =	vshll.u32 v3, $0x2  }
0x25: {  	v3 =	vand.u32 $0x7, v3;
	v4 =	vand.u32 $0xFFFFFFE0, v4  }
0x26: {  	v3 =	vor.u32 v3, v4  }
0x27: {  	v4 =	vperm.xlane v3, v0;
	_ =	sdelay $0x1  }
0x28: {  	v4 =	vadd.s32 v1, v4;
	_ =	sdelay $0x1  }
0x29: {  	v3 =	vperm.xlane v3, v2;
	_ =	sdelay $0x1  }
0x2a: {  	v3 =	vadd.s32 v1, v3  }
0x2b: {  	[tilespmem:s7], [sflag:$0x1] =	stream.indirect_vreg.gather [hbm4b:s3+s2], $0x80, v4, vm0, $0xb8;
	[tilespmem:$0x10100] =	vst v63  }
0x2c: {  	s0 =	rddreg [dreg:$0x8]  }
0x2d: {  	[tilespmem:s0], [sflag:$0x1] =	stream.indirect_vreg.gather [hbm4b:s4+s2], $0x80, v4, vm0, $0xb8;
	[tilespmem:$0x10100] =	vst v63  }
0x2e: {  	s8 =	rddreg [dreg:$0x9]  }
0x2f: {  	[tilespmem:s8], [sflag:$0x1] =	stream.indirect_vreg.gather [hbm4b:s3+s2], $0x80, v3, vm0, $0xb8;
	[tilespmem:$0x10100] =	vst v63  }
0x30: {  	s0 =	rddreg [dreg:$0xa]  }
0x31: {  	[tilespmem:s0], [sflag:$0x1] =	stream.indirect_vreg.gather [hbm4b:s4+s2], $0x80, v3, vm0, $0xb8;
	[tilespmem:$0x10100] =	vst v63  }
0x32: {  	v3 =	vld [tilespmem:$0x10];
	_ =	sdelay $0x4  }
0x33: {  	v57 =	vshll.u32 v3, $0x2  }
0x34: {  	v3 =	vand.u32 $0x7, v3;
	v4 =	vand.u32 $0xFFFFFFE0, v57  }
0x35: {  	v3 =	vor.u32 v3, v4  }
0x36: {  	v4 =	vperm.xlane v3, v0;
	_ =	sdelay $0x1  }
0x37: {  	v4 =	vadd.s32 v1, v4;
	_ =	sdelay $0x1  }
0x38: {  	v3 =	vperm.xlane v3, v2;
	_ =	sdelay $0x1  }
0x39: {  	s0 =	rddreg [dreg:$0xb];
	v3 =	vadd.s32 v1, v3  }
0x3a: {  	[tilespmem:s0], [sflag:$0x1] =	stream.indirect_vreg.gather [hbm4b:s3+s2], $0x80, v4, vm0, $0xb8;
	[tilespmem:$0x10100] =	vst v63  }
0x3b: {  	s8 =	rddreg [dreg:$0xc]  }
0x3c: {  	[tilespmem:s8], [sflag:$0x1] =	stream.indirect_vreg.gather [hbm4b:s4+s2], $0x80, v4, vm0, $0xb8;
	[tilespmem:$0x10100] =	vst v63  }
0x3d: {  	s0 =	rddreg [dreg:$0xd]  }
0x3e: {  	[tilespmem:s0], [sflag:$0x1] =	stream.indirect_vreg.gather [hbm4b:s3+s2], $0x80, v3, vm0, $0xb8;
	[tilespmem:$0x10100] =	vst v63  }
0x3f: {  	s8 =	rddreg [dreg:$0xe]  }
0x40: {  	[tilespmem:s8], [sflag:$0x1] =	stream.indirect_vreg.gather [hbm4b:s4+s2], $0x80, v3, vm0, $0xb8;
	[tilespmem:$0x10100] =	vst v63  }
0x41: {  	v3 =	vld [tilespmem:$0x20];
	_ =	sdelay $0x4  }
0x42: {  	v58 =	vshll.u32 v3, $0x2  }
0x43: {  	v3 =	vand.u32 $0x7, v3;
	v4 =	vand.u32 $0xFFFFFFE0, v58  }
0x44: {  	v3 =	vor.u32 v3, v4  }
0x45: {  	v4 =	vperm.xlane v3, v0;
	_ =	sdelay $0x1  }
0x46: {  	v4 =	vadd.s32 v1, v4;
	_ =	sdelay $0x1  }
0x47: {  	v3 =	vperm.xlane v3, v2;
	_ =	sdelay $0x1  }
0x48: {  	s8 =	rddreg [dreg:$0xf];
	v3 =	vadd.s32 v1, v3  }
0x49: {  	[tilespmem:s8], [sflag:$0x1] =	stream.indirect_vreg.gather [hbm4b:s3+s2], $0x80, v4, vm0, $0xb8;
	[tilespmem:$0x10100] =	vst v63  }
0x4a: {  	s8 =	simm.s32 $0x4900  }
0x4b: {  	[tilespmem:s8], [sflag:$0x1] =	stream.indirect_vreg.gather [hbm4b:s4+s2], $0x80, v4, vm0, $0xb8;
	[tilespmem:$0x10100] =	vst v63  }
0x4c: {  	_ = 	snop  }
0x4d: {  	[tilespmem:s9], [sflag:$0x1] =	stream.indirect_vreg.gather [hbm4b:s3+s2], $0x80, v3, vm0, $0xb8;
	[tilespmem:$0x10100] =	vst v63  }
0x4e: {  	_ = 	snop  }
0x4f: {  	[tilespmem:s10], [sflag:$0x1] =	stream.indirect_vreg.gather [hbm4b:s4+s2], $0x80, v3, vm0, $0xb8;
	[tilespmem:$0x10100] =	vst v63  }
0x50: {  	v3 =	vld [tilespmem:$0x30];
	_ =	sdelay $0x4  }
0x51: {  	v59 =	vshll.u32 v3, $0x2  }
0x52: {  	v3 =	vand.u32 $0x7, v3;
	v4 =	vand.u32 $0xFFFFFFE0, v59  }
0x53: {  	v3 =	vor.u32 v3, v4  }
0x54: {  	v4 =	vperm.xlane v3, v0;
	_ =	sdelay $0x1  }
0x55: {  	v4 =	vadd.s32 v1, v4;
	_ =	sdelay $0x1  }
0x56: {  	v3 =	vperm.xlane v3, v2;
	_ =	sdelay $0x1  }
0x57: {  	v3 =	vadd.s32 v1, v3  }
0x58: {  	[tilespmem:s11], [sflag:$0x1] =	stream.indirect_vreg.gather [hbm4b:s3+s2], $0x80, v4, vm0, $0xb8;
	[tilespmem:$0x10100] =	vst v63  }
0x59: {  	_ = 	snop  }
0x5a: {  	[tilespmem:s12], [sflag:$0x1] =	stream.indirect_vreg.gather [hbm4b:s4+s2], $0x80, v4, vm0, $0xb8;
	[tilespmem:$0x10100] =	vst v63  }
0x5b: {  	_ = 	snop  }
0x5c: {  	[tilespmem:s13], [sflag:$0x1] =	stream.indirect_vreg.gather [hbm4b:s3+s2], $0x80, v3, vm0, $0xb8;
	[tilespmem:$0x10100] =	vst v63  }
0x5d: {  	_ = 	snop  }
0x5e: {  	[tilespmem:s14], [sflag:$0x1] =	stream.indirect_vreg.gather [hbm4b:s4+s2], $0x80, v3, vm0, $0xb8;
	[tilespmem:$0x10100] =	vst v63  }
0x5f: {  	v3 =	vld [tilespmem:$0x80];
	_ =	sdelay $0x4  }
0x60: {  	v60 =	vshll.u32 v3, $0x2  }
0x61: {  	v3 =	vand.u32 $0x7, v3;
	v4 =	vand.u32 $0xFFFFFFE0, v60  }
0x62: {  	v3 =	vor.u32 v3, v4  }
0x63: {  	v4 =	vperm.xlane v3, v0;
	_ =	sdelay $0x1  }
0x64: {  	v4 =	vadd.s32 v1, v4;
	_ =	sdelay $0x1  }
0x65: {  	v3 =	vperm.xlane v3, v2;
	_ =	sdelay $0x1  }
0x66: {  	v3 =	vadd.s32 v1, v3  }
0x67: {  	[tilespmem:s15], [sflag:$0x1] =	stream.indirect_vreg.gather [hbm4b:s3+s2], $0x80, v4, vm0, $0xb8;
	[tilespmem:$0x10100] =	vst v63  }
0x68: {  	_ = 	snop  }
0x69: {  	[tilespmem:s16], [sflag:$0x1] =	stream.indirect_vreg.gather [hbm4b:s4+s2], $0x80, v4, vm0, $0xb8;
	[tilespmem:$0x10100] =	vst v63  }
0x6a: {  	_ = 	snop  }
0x6b: {  	[tilespmem:s17], [sflag:$0x1] =	stream.indirect_vreg.gather [hbm4b:s3+s2], $0x80, v3, vm0, $0xb8;
	[tilespmem:$0x10100] =	vst v63  }
0x6c: {  	_ = 	snop  }
0x6d: {  	[tilespmem:s18], [sflag:$0x1] =	stream.indirect_vreg.gather [hbm4b:s4+s2], $0x80, v3, vm0, $0xb8;
	[tilespmem:$0x10100] =	vst v63  }
0x6e: {  	v3 =	vld [tilespmem:$0x90];
	_ =	sdelay $0x4  }
0x6f: {  	v61 =	vshll.u32 v3, $0x2  }
0x70: {  	v3 =	vand.u32 $0x7, v3;
	v4 =	vand.u32 $0xFFFFFFE0, v61  }
0x71: {  	v3 =	vor.u32 v3, v4  }
0x72: {  	v4 =	vperm.xlane v3, v0;
	_ =	sdelay $0x1  }
0x73: {  	v4 =	vadd.s32 v1, v4;
	_ =	sdelay $0x1  }
0x74: {  	v3 =	vperm.xlane v3, v2;
	_ =	sdelay $0x1  }
0x75: {  	v3 =	vadd.s32 v1, v3  }
0x76: {  	[tilespmem:s19], [sflag:$0x1] =	stream.indirect_vreg.gather [hbm4b:s3+s2], $0x80, v4, vm0, $0xb8;
	[tilespmem:$0x10100] =	vst v63  }
0x77: {  	_ = 	snop  }
0x78: {  	[tilespmem:s20], [sflag:$0x1] =	stream.indirect_vreg.gather [hbm4b:s4+s2], $0x80, v4, vm0, $0xb8;
	[tilespmem:$0x10100] =	vst v63  }
0x79: {  	_ = 	snop  }
0x7a: {  	[tilespmem:s21], [sflag:$0x1] =	stream.indirect_vreg.gather [hbm4b:s3+s2], $0x80, v3, vm0, $0xb8;
	[tilespmem:$0x10100] =	vst v63  }
0x7b: {  	_ = 	snop  }
0x7c: {  	[tilespmem:s22], [sflag:$0x1] =	stream.indirect_vreg.gather [hbm4b:s4+s2], $0x80, v3, vm0, $0xb8;
	[tilespmem:$0x10100] =	vst v63  }
0x7d: {  	v3 =	vld [tilespmem:$0xA0];
	_ =	sdelay $0x4  }
0x7e: {  	v62 =	vshll.u32 v3, $0x2  }
0x7f: {  	v3 =	vand.u32 $0x7, v3;
	v4 =	vand.u32 $0xFFFFFFE0, v62  }
0x80: {  	v3 =	vor.u32 v3, v4  }
0x81: {  	v4 =	vperm.xlane v3, v0;
	_ =	sdelay $0x1  }
0x82: {  	v4 =	vadd.s32 v1, v4;
	_ =	sdelay $0x1  }
0x83: {  	v3 =	vperm.xlane v3, v2;
	_ =	sdelay $0x1  }
0x84: {  	v3 =	vadd.s32 v1, v3  }
0x85: {  	[tilespmem:s23], [sflag:$0x1] =	stream.indirect_vreg.gather [hbm4b:s3+s2], $0x80, v4, vm0, $0xb8;
	[tilespmem:$0x10100] =	vst v63  }
0x86: {  	_ = 	snop  }
0x87: {  	[tilespmem:s24], [sflag:$0x1] =	stream.indirect_vreg.gather [hbm4b:s4+s2], $0x80, v4, vm0, $0xb8;
	[tilespmem:$0x10100] =	vst v63  }
0x88: {  	_ = 	snop  }
0x89: {  	[tilespmem:s25], [sflag:$0x1] =	stream.indirect_vreg.gather [hbm4b:s3+s2], $0x80, v3, vm0, $0xb8;
	[tilespmem:$0x10100] =	vst v63  }
0x8a: {  	_ = 	snop  }
0x8b: {  	[tilespmem:s26], [sflag:$0x1] =	stream.indirect_vreg.gather [hbm4b:s4+s2], $0x80, v3, vm0, $0xb8;
	[tilespmem:$0x10100] =	vst v63  }
0x8c: {  	v3 =	vld [tilespmem:$0xB0];
	_ =	sdelay $0x4  }
0x8d: {  	v63 =	vshll.u32 v3, $0x2  }
0x8e: {  	v3 =	vand.u32 $0x7, v3;
	v4 =	vand.u32 $0xFFFFFFE0, v63  }
0x8f: {  	v3 =	vor.u32 v3, v4  }
0x90: {  	v4 =	vperm.xlane v3, v0;
	_ =	sdelay $0x1  }
0x91: {  	v4 =	vadd.s32 v1, v4;
	_ =	sdelay $0x1  }
0x92: {  	v3 =	vperm.xlane v3, v2;
	_ =	sdelay $0x1  }
0x93: {  	v3 =	vadd.s32 v1, v3  }
0x94: {  	[tilespmem:s28], [sflag:$0x1] =	stream.indirect_vreg.gather [hbm4b:s3+s2], $0x80, v4, vm0, $0xb8;
	[tilespmem:$0x10100] =	vst v63  }
0x95: {  	_ = 	snop  }
0x96: {  	[tilespmem:s29], [sflag:$0x1] =	stream.indirect_vreg.gather [hbm4b:s4+s2], $0x80, v4, vm0, $0xb8;
	[tilespmem:$0x10100] =	vst v63  }
0x97: {  	_ = 	snop  }
0x98: {  	[tilespmem:s30], [sflag:$0x1] =	stream.indirect_vreg.gather [hbm4b:s3+s2], $0x80, v3, vm0, $0xb8;
	[tilespmem:$0x10100] =	vst v63  }
0x99: {  	_ = 	snop  }
0x9a: {  	[tilespmem:s31], [sflag:$0x1] =	stream.indirect_vreg.gather [hbm4b:s4+s2], $0x80, v3, vm0, $0xb8;
	[tilespmem:$0x10100] =	vst v63  }
0x9b: {  	_ =	swait.ge [sflag:s1], $0x8000  }
0x9c: {  	[sflag:s1] =	ssyncset.done $0x0  }
0x9d: {  	[sflag:s1] =	ssyncadd.s32 $0xFFFF8000  }
0x9e: {  	_ =	swait.ge [sflag:s1], $0x8000  }
0x9f: {  	[sflag:s1] =	ssyncset.done $0x0  }
0xa0: {  	s8 =	rddreg [dreg:$0x5];
	[sflag:s1] =	ssyncadd.s32 $0xFFFF8000  }
0xa1: {  	[hbm4b:s8+s2] =	stream.linear.scatter [tilespmem:s7], [sflag:$0x2], $0x8000, $0x38;
	[tilespmem:$0x10100] =	vst v63  }
0xa2: {  	_ =	swait.ge [sflag:s6], $0x8000  }
0xa3: {  	p0 =	sne.s32 s5, $0x1;
	[sflag:s6] =	ssyncset.done $0x0  }
.Ltmp0:
0xa4: {  	s8 =	rddreg [dreg:$0x6];
	[sflag:s6] =	ssyncadd.s32 $0xFFFF8000;
	(pc) =	sbr.rel @p0 .LBB2_1-.Ltmp0, $4  }
0xa5: {  	[hbm4b:s8+s2] =	stream.linear.scatter [tilespmem:s15], [sflag:$0x2], $0x8000, $0x38;
	[tilespmem:$0x10100] =	vst v63  }
0xa6: {  	_ =	swait.ge [sflag:s6], $0x8000  }
0xa7: {  	[sflag:s6] =	ssyncset.done $0x0  }
0xa8: {  	s5 =	sadd.s32 $0xFFFFFFFF, s5;
	[sflag:s6] =	ssyncadd.s32 $0xFFFF8000  }
0xa9: {  	_ =	sfence.sel $0x180000  }
0xaa: {  	[bflag:$0x0] =	sbarrier.arrive $0xFFFF  }
0xab: {  	_ =	strace $0x9000004A  }
0xac: {  	s0 =	stileid.u32;
	[bflag:$0x2] =	sbarrier.arrive $0xFFFF  }
0xad: {  	p0 =	sne.s32 s0, $0x0;
	s0 =	rddreg [dreg:$0x2]  }
0xae: {  	s0 =	sadd.s32 @!p0 $0x100000, s0  }
0xaf: {  	[sflag:s0] =	ssyncadd.tile.s32 @!p0 $0x1;
	_ =	shalt  }
.Lfunc_end2:
_tile_overlayer_lowered:
.L_overlay_start_2:
0xb0: {  	(tag) =	ssettag $0x2  }
0xb1: {  	s0 =	rddreg [dreg:$0x0];
	s2 =	stileid.u32  }
0xb2: {  	s1 =	rddreg [dreg:$0x1];
	p0 =	sne.s32 s2, $0x0  }
0xb3: {  	s3 =	rddreg [dreg:$0x2];
	[bflag:$0x3] =	sbarrier.arrive $0xFFFF;
	s2 =	simm.s32 @!p0 $0x1C02  }
0xb4: {  	[timem:s3], [sflag:s2] =	dma.local @!p0 [hbm:s0], s1  }
0xb5: {  	s0 =	simm.s32 @!p0 $0x2  }
0xb6: {  	_ =	swait.ge @!p0 [sflag:s0], s1  }
0xb7: {  	s1 =	ssub.s32 @!p0 $0x0, s1;
	[sflag:s0] =	ssyncset.done @!p0 $0x0  }
0xb8: {  	[sflag:s0] =	ssyncadd.s32 @!p0 s1  }
0xb9: {  	[bflag:$0x3] =	sbarrier.arrive $0xFFFF  }
0xba: {  	_ =	shalt  }

// kernel: kernel.7.cloned.1.call-start
scs
__scs_entry_jumppad:
0x0: {  	(pc) =	sbr.rel $0x88, $3  }
0x1: {  	(tag) =	ssettag $0x0;
	lr =	simm.s32 $0x1  }
0x2: {  	[smem:$0x3F9C] =	sst lr;
	_ =	strace $0xD0000000  }
0x3: {  	_ = 	snop  }
0x4: {  	_ = 	snop  }
0x5: {  	_ = 	snop  }
0x6: {  	_ = 	snop  }
0x7: {  	_ = 	snop  }
__scs_overlays_trampoline_lowered:
0x8: {  	[smem:$0x3FAB] =	sst s0  }
0x9: {  	[smem:$0x3FAC] =	sst s1  }
0xa: {  	[smem:$0x3FAD] =	sst s2  }
0xb: {  	[smem:$0x3FAE] =	sst s3  }
0xc: {  	[smem:$0x3FAF] =	sst s4  }
0xd: {  	[smem:$0x3FB0] =	sst s5  }
0xe: {  	[smem:$0x3FB1] =	sst s6  }
0xf: {  	[smem:$0x3FB2] =	sst s7  }
0x10: {  	[smem:$0x3FB3] =	sst s8  }
0x11: {  	[smem:$0x3FB4] =	sst s9;
	s0 =	simm.s32 @!p0 $0x0  }
0x12: {  	s1 =	sld [smem:$0x3F9A];
	s0 =	simm.s32 @p0 $0x1  }
0x13: {  	[smem:$0x3FB5] =	sst s0;
	s0 =	simm.s32 @!p1 $0x0  }
0x14: {  	s2 =	sld [smem:$0x3F99];
	s0 =	simm.s32 @p1 $0x1  }
0x15: {  	[smem:$0x3FB6] =	sst s0;
	s0 =	simm.s32 @!p2 $0x0  }
0x16: {  	s3 =	sld [smem:$0x3FDB];
	s0 =	simm.s32 @p2 $0x1  }
0x17: {  	s4 =	simm.s32 $0x1BF5;
	[smem:$0x3FB8] =	sst s0  }
0x18: {  	s0 =	sld [smem:$0x3F9B];
	_ =	swait.ge [sflag:s4], $0x0  }
0x19: {  	s7 =	sld [smem:$0x3F9C]  }
0x1a: {  	s8 =	sadd.s32 $0xFFFFE003, lr  }
0x1b: {  	s9 =	sadd.s32 $0xFFFFFEF7, lr;
	s5 =	simm.s32 $0xFFFFFFFF;
	p2 =	slt.u32 s8, $0xFFFFF086  }
0x1c: {  	p1 =	slt.u32 s9, $0xF7A;
	s5 =	simm.s32 @!p2 $0x0  }
0x1d: {  	s5 =	simm.s32 @p1 $0x1;
	p0 =	seq.s32 s7, s2  }
0x1e: {  	s7 =	smul.u32 @!p0 $0xF7A, s2;
	p2 =	seq.s32 @!p0 s5, $0x0  }
0x1f: {  	s9 =	smul.u32 $0xF7A, s1;
	s8 =	simm.s32 @!p0 $0x1BF5;
	p2 =	por !p2, p0  }
0x20: {  	[sflag:s8] =	ssyncset.s32 @!p0 $0xFFFFF086;
	s6 =	sadd.s32 @!p0 s3, s7;
	s7 =	simm.s32 @!p0 $0x108  }
0x21: {  	s3 =	sadd.s32 s3, s9;
	s6 =	sadd.s32 @!p0 $0x88, s6;
	s7 =	simm.s32 @p2 $0x1082  }
0x22: {  	[simem:s7], [sflag:s8] =	dma.local @!p0 [hbm:s6], $0xF7A  }
0x23: {  	s9 =	sor.u32 $0xD0000000, s2;
	s6 =	simm.s32 $0x108;
	_ =	swait.ge @!p0 [sflag:s8], $0x0  }
0x24: {  	s3 =	sadd.s32 $0x88, s3;
	s6 =	simm.s32 @!p1 $0x1082;
	[sflag:s4] =	ssyncset.s32 $0xFFFFF086  }
0x25: {  	[simem:s6], [sflag:s4] =	dma.local [hbm:s3], $0xF7A  }
0x26: {  	[smem:$0x3F9C] =	sst s1;
	(tag) =	ssettag s2;
	_ =	strace s9  }
0x27: {  	s1 =	sld [smem:$0x3FAC]  }
0x28: {  	s2 =	sld [smem:$0x3FAD]  }
0x29: {  	s4 =	sld [smem:$0x3FAF]  }
0x2a: {  	p0 =	seq.s32 s5, $0x0;
	s5 =	sld [smem:$0x3FB0]  }
0x2b: {  	s6 =	sld [smem:$0x3FB1]  }
0x2c: {  	s7 =	sld [smem:$0x3FB2]  }
0x2d: {  	s3 =	simm.s32 $0x108;
	s8 =	sld [smem:$0x3FB3]  }
0x2e: {  	s3 =	simm.s32 @!p0 $0x1082;
	s9 =	sld [smem:$0x3FB4]  }
0x2f: {  	lr =	sadd.s32 s0, s3;
	s0 =	sld [smem:$0x3FAB]  }
0x30: {  	s3 =	sld [smem:$0x3FAE]  }
0x31: {  	[smem:$0x3FB7] =	sst s10  }
0x32: {  	s10 =	sld [smem:$0x3FB5];
	_ =	sdelay $0x3  }
0x33: {  	p0 =	seq.s32 s10, $0x1;
	s10 =	sld [smem:$0x3FB7];
	_ =	sdelay $0x3  }
0x34: {  	[smem:$0x3FB7] =	sst s10  }
0x35: {  	s10 =	sld [smem:$0x3FB6];
	_ =	sdelay $0x3  }
0x36: {  	p1 =	seq.s32 s10, $0x1;
	s10 =	sld [smem:$0x3FB7];
	_ =	sdelay $0x3  }
0x37: {  	[smem:$0x3FB7] =	sst s10  }
0x38: {  	s10 =	sld [smem:$0x3FB8]  }
0x39: {  	_ = 	snop;
	(pc) =	sbr.ind lr, $3  }
0x3a: {  	_ = 	snop  }
0x3b: {  	_ = 	snop  }
0x3c: {  	p2 =	seq.s32 s10, $0x1;
	s10 =	sld [smem:$0x3FB7]  }
0x3d: {  	_ =	shalt  }
0x3e: {  	_ =	shalt  }
0x3f: {  	_ =	shalt  }
0x40: {  	_ =	shalt  }
0x41: {  	_ =	shalt  }
0x42: {  	_ =	shalt  }
0x43: {  	_ =	shalt  }
0x44: {  	_ =	shalt  }
0x45: {  	_ =	shalt  }
0x46: {  	_ =	shalt  }
0x47: {  	_ =	shalt  }
0x48: {  	_ =	shalt  }
0x49: {  	_ =	shalt  }
0x4a: {  	_ =	shalt  }
0x4b: {  	_ =	shalt  }
0x4c: {  	_ =	shalt  }
0x4d: {  	_ =	shalt  }
0x4e: {  	_ =	shalt  }
0x4f: {  	_ =	shalt  }
0x50: {  	_ =	shalt  }
0x51: {  	_ =	shalt  }
0x52: {  	_ =	shalt  }
0x53: {  	_ =	shalt  }
0x54: {  	_ =	shalt  }
0x55: {  	_ =	shalt  }
0x56: {  	_ =	shalt  }
0x57: {  	_ =	shalt  }
0x58: {  	_ =	shalt  }
0x59: {  	_ =	shalt  }
0x5a: {  	_ =	shalt  }
0x5b: {  	_ =	shalt  }
0x5c: {  	_ =	shalt  }
0x5d: {  	_ =	shalt  }
0x5e: {  	_ =	shalt  }
0x5f: {  	_ =	shalt  }
0x60: {  	_ =	shalt  }
0x61: {  	_ =	shalt  }
0x62: {  	_ =	shalt  }
0x63: {  	_ =	shalt  }
0x64: {  	_ =	shalt  }
0x65: {  	_ =	shalt  }
0x66: {  	_ =	shalt  }
0x67: {  	_ =	shalt  }
0x68: {  	_ =	shalt  }
0x69: {  	_ =	shalt  }
0x6a: {  	_ =	shalt  }
0x6b: {  	_ =	shalt  }
0x6c: {  	_ =	shalt  }
0x6d: {  	_ =	shalt  }
0x6e: {  	_ =	shalt  }
0x6f: {  	_ =	shalt  }
0x70: {  	_ =	shalt  }
0x71: {  	_ =	shalt  }
0x72: {  	_ =	shalt  }
0x73: {  	_ =	shalt  }
0x74: {  	_ =	shalt  }
0x75: {  	_ =	shalt  }
0x76: {  	_ =	shalt  }
0x77: {  	_ =	shalt  }
0x78: {  	_ =	shalt  }
0x79: {  	_ =	shalt  }
0x7a: {  	_ =	shalt  }
0x7b: {  	_ =	shalt  }
0x7c: {  	_ =	shalt  }
0x7d: {  	_ =	shalt  }
0x7e: {  	_ =	shalt  }
0x7f: {  	_ =	shalt  }
0x80: {  	_ =	shalt  }
0x81: {  	_ =	shalt  }
0x82: {  	_ =	shalt  }
0x83: {  	_ =	shalt  }
0x84: {  	_ =	shalt  }
0x85: {  	_ =	shalt  }
0x86: {  	_ =	shalt  }
0x87: {  	_ =	shalt  }
.Lfunc_end0:
.L_simem_size_0:
called_computation_lowered:
.L_overlay_start_0:
0x88: {  	s2 =	sld [smem:$0x3FD9]  }
0x89: {  	s3 =	sld [smem:$0x3FFE];
	_ =	sdelay $0x1  }
0x8a: {  	s1 =	srdreg.scid  }
0x8b: {  	s0 =	sand.u32 $0x1, s1  }
0x8c: {  	s17 =	sshll.u32 s0, $0xA;
	s2 =	sadd.s32 s3, s2  }
0x8d: {  	s2 =	sadd.s32 s2, s17  }
0x8e: {  	[smem:$0x3FC3] =	sst s2  }
0x8f: {  	_ = 	snop  }
0x90: {  	s2 =	sld [smem:$0x3FC9];
	(tm) =	ssettm $0x1  }
0x91: {  	s18 =	sld [smem:$0x3FFB];
	_ =	sdelay $0x3  }
0x92: {  	_ =	strace s18  }
0x93: {  	s3 =	sld [smem:$0x3FFC];
	_ =	sdelay $0x3  }
0x94: {  	_ =	strace s3  }
0x95: {  	s3 =	sld [smem:$0x3FFD];
	_ =	sdelay $0x3  }
0x96: {  	_ =	strace s3  }
0x97: {  	_ =	strace $0x8FFFFFFF  }
0x98: {  	s19 =	sld [smem:$0x3FDB];
	_ =	sdelay $0x1  }
0x99: {  	s4 =	simm.s32 $_scs_section_size  }
0x9a: {  	s5 =	simm.s32 $_size__tile_overlayer_lowered;
	s6 =	simm.s32 $_tile_overlayer_lowered  }
0x9b: {  	s22 =	simm.s32 $0x1BFF;
	s21 =	sshll.u32 s6, $0x1;
	s3 =	sadd.s32 s4, s19  }
0x9c: {  	s7 =	simm.s32 $0x0;
	s20 =	sshll.u32 s5, $0x1;
	s5 =	sadd.s32 s21, s3  }
0x9d: {  	[timem:s7], [sflag:s22] =	dma.local [hbm:s5], s20  }
0x9e: {  	_ =	swait.ge [sflag:s22], s20  }
0x9f: {  	s4 =	ssub.s32 $0x0, s20;
	[sflag:s22] =	ssyncset.done $0x0  }
0xa0: {  	[sflag:s22] =	ssyncadd.s32 s4;
	_ =	sdelay $0x1  }
0xa1: {  	s23 =	simm.s32 $0x1B8B  }
0xa2: {  	_ =	swait.ge [sflag:s23], $0x1  }
0xa3: {  	[sflag:s23] =	ssyncset.done $0x0  }
0xa4: {  	s25 =	simm.s32 $0x1B8E;
	s24 =	sld [smem:$0x3FFE];
	[sflag:s23] =	ssyncadd.s32 $0xFFFFFFFF  }
0xa5: {  	s26 =	simm.s32 $execute0_lowered;
	[smem:$0x3FD2] =	sst s25  }
0xa6: {  	s5 =	sshll.u32 s26, $0x1;
	_ =	strace $0x80000046;
	[dreg:$0x1] =	wrdreg $0xFFFFFFFF  }
0xa7: {  	s28 =	simm.s32 $_size_execute0_lowered;
	s3 =	sadd.s32 s3, s5;
	[dreg:$0x0] =	wrdreg $0x0  }
0xa8: {  	s5 =	sshll.u32 s28, $0x1;
	[dreg:$0x2] =	wrdreg s3  }
0xa9: {  	[dreg:$0x3] =	wrdreg s5  }
0xaa: {  	[dreg:$0x4] =	wrdreg $0xC0  }
0xab: {  	_ =	task [dreg:s7], $0x5FFFF  }
0xac: {  	[dreg:$0x1] =	wrdreg $0xFFFFFFFF  }
0xad: {  	[dreg:$0x0] =	wrdreg $0x60  }
0xae: {  	[dreg:$0x2] =	wrdreg s2  }
0xaf: {  	[dreg:$0x3] =	wrdreg s24  }
0xb0: {  	[dreg:$0x4] =	wrdreg $0x9  }
0xb1: {  	_ =	task.clear_ibuf [dreg:s7], $0x5FFFF;
	_ =	strace $0x90000046  }
0xb2: {  	s29 =	simm.s32 $0x9;
	_ =	strace $0x80000048  }
0xb3: {  	_ =	swait.ge [sflag:s29], $0x1  }
0xb4: {  	[sflag:s29] =	ssyncadd.s32 $0xFFFFFFFF  }
0xb5: {  	_ =	strace $0x90000048  }
0xb6: {  	_ =	sfence  }
0xb7: {  	s30 =	sld [smem:$0x0];
	_ =	sdelay $0x2  }
0xb8: {  	s31 =	sshll.u32 s1, $0xD;
	s1 =	sshrl.u32 s1, $0x2  }
0xb9: {  	s3 =	sand.u32 $0x4000, s31;
	s1 =	sadd.s32 s1, s30  }
0xba: {  	s0 =	sor.u32 s3, s0;
	s1 =	sshll.u32 s1, $0x11  }
0xbb: {  	s0 =	sor.u32 s1, s0  }
0xbc: {  	s0 =	sadd.s32 $0x8F2B, s0  }
0xbd: {  	[sflag:s0] =	ssyncadd.remote.s32 $0x1  }
0xbe: {  	_ =	sfence.sel $0xFFFF  }
0xbf: {  	[dreg:$0x0] =	wrdreg $0xFFFFFFFF;
	(pc) =	sbr.abs _section_cstart, $3  }
0xc0: {  	[dreg:$0x1] =	wrdreg $0xFFFFFFFF  }
0xc1: {  	_ =	task.clear_ibuf [dreg:s7], $0x2FFFF;
	_ =	strace $0x9FFFFFFF  }
0xc2: {  	(tm) =	ssettm $0x7FFFFFFF  }
0xc3: {  	_ =	shalt  }
tec
execute0_lowered:
.L_overlay_start_1:
0x0: {  	(tag) =	ssettag $0x1  }
0x1: {  	s0 =	srdreg.scid  }
0x2: {  	s1 =	rddreg [dreg:$0x0];
	s2 =	stileid.u32  }
0x3: {  	s6 =	rddreg [dreg:$0x1];
	s26 =	simm.s32 $0x80;
	s8 =	simm.s32 $0x2  }
0x4: {  	s18 =	simm.s32 $0x100;
	s21 =	simm.s32 $0x1900;
	s22 =	simm.s32 $0x2100  }
0x5: {  	s23 =	simm.s32 $0x2900;
	s24 =	simm.s32 $0x3100;
	s28 =	simm.s32 $0x4900  }
0x6: {  	s29 =	simm.s32 $0x5100;
	s30 =	simm.s32 $0x5900;
	s31 =	simm.s32 $0x6100  }
0x7: {  	s10 =	simm.s32 $0x7900;
	s11 =	simm.s32 $0x8100;
	s12 =	simm.s32 $0x8900  }
0x8: {  	s13 =	simm.s32 $0x9100;
	s14 =	simm.s32 $0x9900;
	s15 =	simm.s32 $0xA100  }
0x9: {  	s16 =	simm.s32 $0xA900;
	s17 =	simm.s32 $0xB100;
	s9 =	simm.s32 $0xB900  }
0xa: {  	s0 =	sand.u32 $0x1, s0;
	s3 =	sshll.u32 s2, $0x7;
	s2 =	simm.s32 $0x0  }
0xb: {  	s4 =	sshll.u32 s0, $0x6;
	[smem:$0x7FF] =	sst s2;
	s0 =	ssub.s32 $0x2, s0  }
0xc: {  	s4 =	sor.u32 s4, s3;
	_ =	strace $0x80000047;
	s25 =	sshrl.u32 s0, $0x1  }
0xd: {  	[dreg:$0x6] =	wrdreg s26;
	s3 =	sshrl.u32 s4, $0x3;
	s4 =	sshll.u32 s4, $0x7  }
0xe: {  	s26 =	simm.s32 $0x4100;
	s5 =	sadd.s32 s3, s6;
	s1 =	sadd.s32 s1, s4  }
0xf: {  	s0 =	ssub.s32 s0, s25;
	s7 =	sadd.s32 $0x1800, s5;
	[dreg:$0x5] =	wrdreg s1  }
0x10: {  	v2 =	vlaneseq.u32;
	s25 =	simm.s32 $0x3900;
	s5 =	sadd.s32 $0x1900, s5;
	[dreg:$0x3] =	wrdreg s7  }
0x11: {  	vm0 =	vmmov $0xffff;
	v1 =	vshrl.u32 v2, $0x3;
	s3 =	sadd.s32 $0x1A00, s6;
	s4 =	sadd.s32 $0x1B00, s6;
	[dreg:$0x4] =	wrdreg s5  }
0x12: {  	v0 =	vand.u32 $0x7, v2;
	v2 =	vor.u32 $0x8, v2;
	v1 =	vmul.u32 $0x8, v1;
	s5 =	sadd.s32 $0x1C00, s6;
	s6 =	sadd.s32 $0x1D00, s6;
	s7 =	smax.u32 s0, $0x1  }
.LBB2_1:
0x13: {  	s19 =	rddreg [dreg:$0x3]  }
0x14: {  	[tilespmem:s2], [sflag:$0x2] =	stream.linear.gather [hbm4b:s19+s2], $0x40, $0x38;
	[tilespmem:$0x10100] =	vst v63  }
0x15: {  	_ =	swait.ge [sflag:s8], $0x40  }
0x16: {  	s0 =	rddreg [dreg:$0x4];
	[sflag:s8] =	ssyncset.done $0x0  }
0x17: {  	s20 =	rddreg [dreg:$0x6];
	[sflag:s8] =	ssyncadd.s32 $0xFFFFFFC0  }
0x18: {  	[tilespmem:s20], [sflag:$0x2] =	stream.linear.gather [hbm4b:s0+s2], $0x40, $0x38;
	[tilespmem:$0x10100] =	vst v63  }
0x19: {  	_ =	swait.ge [sflag:s8], $0x40  }
0x1a: {  	[sflag:s8] =	ssyncset.done $0x0  }
0x1b: {  	s1 =	rddreg [dreg:$0x5];
	[sflag:s8] =	ssyncadd.s32 $0xFFFFFFC0  }
0x1c: {  	[tilespmem:s18], [sflag:$0x2] =	stream.linear.gather [hbm4b:s1+s2], $0x10000, $0x38;
	[tilespmem:$0x10100] =	vst v63  }
0x1d: {  	_ =	swait.ge [sflag:s8], $0x10000  }
0x1e: {  	[sflag:s8] =	ssyncset.done $0x0  }
0x1f: {  	[sflag:s8] =	ssyncadd.s32 $0xFFFF0000  }
0x20: {  	v3 =	vld [tilespmem:$0x0];
	_ =	sdelay $0x4  }
0x21: {  	v4 =	vshll.u32 v3, $0x3  }
0x22: {  	v3 =	vand.u32 $0x7, v3;
	v4 =	vand.u32 $0xFFFFFFC0, v4  }
0x23: {  	v3 =	vor.u32 v3, v4  }
0x24: {  	v4 =	vperm.xlane v3, v0;
	_ =	sdelay $0x1  }
0x25: {  	v4 =	vadd.s32 v1, v4;
	_ =	sdelay $0x4  }
0x26: {  	[hbm4b:s3+s2] =	stream.indirect_vreg.scatter [tilespmem:s18], [sflag:$0x1], $0x80, v4, vm0, $0xb8;
	[tilespmem:$0x10100] =	vst v63  }
0x27: {  	s19 =	simm.s32 $0x900;
	v3 =	vperm.xlane v3, v2  }
0x28: {  	[hbm4b:s4+s2] =	stream.indirect_vreg.scatter [tilespmem:s19], [sflag:$0x1], $0x80, v4, vm0, $0xb8;
	[tilespmem:$0x10100] =	vst v63  }
0x29: {  	s20 =	simm.s32 $0x1100;
	v3 =	vadd.s32 v1, v3  }
0x2a: {  	[hbm4b:s5+s2] =	stream.indirect_vreg.scatter [tilespmem:s20], [sflag:$0x1], $0x80, v4, vm0, $0xb8;
	[tilespmem:$0x10100] =	vst v63  }
0x2b: {  	_ = 	snop  }
0x2c: {  	[hbm4b:s6+s2] =	stream.indirect_vreg.scatter [tilespmem:s21], [sflag:$0x1], $0x80, v4, vm0, $0xb8;
	[tilespmem:$0x10100] =	vst v63  }
0x2d: {  	_ = 	snop  }
0x2e: {  	[hbm4b:s3+s2] =	stream.indirect_vreg.scatter [tilespmem:s22], [sflag:$0x1], $0x80, v3, vm0, $0xb8;
	[tilespmem:$0x10100] =	vst v63  }
0x2f: {  	_ = 	snop  }
0x30: {  	[hbm4b:s4+s2] =	stream.indirect_vreg.scatter [tilespmem:s23], [sflag:$0x1], $0x80, v3, vm0, $0xb8;
	[tilespmem:$0x10100] =	vst v63  }
0x31: {  	_ = 	snop  }
0x32: {  	[hbm4b:s5+s2] =	stream.indirect_vreg.scatter [tilespmem:s24], [sflag:$0x1], $0x80, v3, vm0, $0xb8;
	[tilespmem:$0x10100] =	vst v63  }
0x33: {  	_ = 	snop  }
0x34: {  	[hbm4b:s6+s2] =	stream.indirect_vreg.scatter [tilespmem:s25], [sflag:$0x1], $0x80, v3, vm0, $0xb8;
	[tilespmem:$0x10100] =	vst v63  }
0x35: {  	v3 =	vld [tilespmem:$0x10];
	_ =	sdelay $0x4  }
0x36: {  	v57 =	vshll.u32 v3, $0x3  }
0x37: {  	v3 =	vand.u32 $0x7, v3;
	v4 =	vand.u32 $0xFFFFFFC0, v57  }
0x38: {  	v3 =	vor.u32 v3, v4  }
0x39: {  	v4 =	vperm.xlane v3, v0;
	_ =	sdelay $0x1  }
0x3a: {  	v4 =	vadd.s32 v1, v4;
	_ =	sdelay $0x4  }
0x3b: {  	[hbm4b:s3+s2] =	stream.indirect_vreg.scatter [tilespmem:s26], [sflag:$0x1], $0x80, v4, vm0, $0xb8;
	[tilespmem:$0x10100] =	vst v63  }
0x3c: {  	v3 =	vperm.xlane v3, v2  }
0x3d: {  	[hbm4b:s4+s2] =	stream.indirect_vreg.scatter [tilespmem:s28], [sflag:$0x1], $0x80, v4, vm0, $0xb8;
	[tilespmem:$0x10100] =	vst v63  }
0x3e: {  	v3 =	vadd.s32 v1, v3  }
0x3f: {  	[hbm4b:s5+s2] =	stream.indirect_vreg.scatter [tilespmem:s29], [sflag:$0x1], $0x80, v4, vm0, $0xb8;
	[tilespmem:$0x10100] =	vst v63  }
0x40: {  	_ = 	snop  }
0x41: {  	[hbm4b:s6+s2] =	stream.indirect_vreg.scatter [tilespmem:s30], [sflag:$0x1], $0x80, v4, vm0, $0xb8;
	[tilespmem:$0x10100] =	vst v63  }
0x42: {  	_ = 	snop  }
0x43: {  	[hbm4b:s3+s2] =	stream.indirect_vreg.scatter [tilespmem:s31], [sflag:$0x1], $0x80, v3, vm0, $0xb8;
	[tilespmem:$0x10100] =	vst v63  }
0x44: {  	s1 =	simm.s32 $0x6900  }
0x45: {  	[hbm4b:s4+s2] =	stream.indirect_vreg.scatter [tilespmem:s1], [sflag:$0x1], $0x80, v3, vm0, $0xb8;
	[tilespmem:$0x10100] =	vst v63  }
0x46: {  	s0 =	simm.s32 $0x7100  }
0x47: {  	[hbm4b:s5+s2] =	stream.indirect_vreg.scatter [tilespmem:s0], [sflag:$0x1], $0x80, v3, vm0, $0xb8;
	[tilespmem:$0x10100] =	vst v63  }
0x48: {  	_ = 	snop  }
0x49: {  	[hbm4b:s6+s2] =	stream.indirect_vreg.scatter [tilespmem:s10], [sflag:$0x1], $0x80, v3, vm0, $0xb8;
	[tilespmem:$0x10100] =	vst v63  }
0x4a: {  	v3 =	vld [tilespmem:$0x20];
	_ =	sdelay $0x4  }
0x4b: {  	v58 =	vshll.u32 v3, $0x3  }
0x4c: {  	v3 =	vand.u32 $0x7, v3;
	v4 =	vand.u32 $0xFFFFFFC0, v58  }
0x4d: {  	v3 =	vor.u32 v3, v4  }
0x4e: {  	v4 =	vperm.xlane v3, v0;
	_ =	sdelay $0x1  }
0x4f: {  	v4 =	vadd.s32 v1, v4;
	_ =	sdelay $0x4  }
0x50: {  	[hbm4b:s3+s2] =	stream.indirect_vreg.scatter [tilespmem:s11], [sflag:$0x1], $0x80, v4, vm0, $0xb8;
	[tilespmem:$0x10100] =	vst v63  }
0x51: {  	v3 =	vperm.xlane v3, v2  }
0x52: {  	[hbm4b:s4+s2] =	stream.indirect_vreg.scatter [tilespmem:s12], [sflag:$0x1], $0x80, v4, vm0, $0xb8;
	[tilespmem:$0x10100] =	vst v63  }
0x53: {  	v3 =	vadd.s32 v1, v3  }
0x54: {  	[hbm4b:s5+s2] =	stream.indirect_vreg.scatter [tilespmem:s13], [sflag:$0x1], $0x80, v4, vm0, $0xb8;
	[tilespmem:$0x10100] =	vst v63  }
0x55: {  	_ = 	snop  }
0x56: {  	[hbm4b:s6+s2] =	stream.indirect_vreg.scatter [tilespmem:s14], [sflag:$0x1], $0x80, v4, vm0, $0xb8;
	[tilespmem:$0x10100] =	vst v63  }
0x57: {  	_ = 	snop  }
0x58: {  	[hbm4b:s3+s2] =	stream.indirect_vreg.scatter [tilespmem:s15], [sflag:$0x1], $0x80, v3, vm0, $0xb8;
	[tilespmem:$0x10100] =	vst v63  }
0x59: {  	_ = 	snop  }
0x5a: {  	[hbm4b:s4+s2] =	stream.indirect_vreg.scatter [tilespmem:s16], [sflag:$0x1], $0x80, v3, vm0, $0xb8;
	[tilespmem:$0x10100] =	vst v63  }
0x5b: {  	_ = 	snop  }
0x5c: {  	[hbm4b:s5+s2] =	stream.indirect_vreg.scatter [tilespmem:s17], [sflag:$0x1], $0x80, v3, vm0, $0xb8;
	[tilespmem:$0x10100] =	vst v63  }
0x5d: {  	_ = 	snop  }
0x5e: {  	[hbm4b:s6+s2] =	stream.indirect_vreg.scatter [tilespmem:s9], [sflag:$0x1], $0x80, v3, vm0, $0xb8;
	[tilespmem:$0x10100] =	vst v63  }
0x5f: {  	v3 =	vld [tilespmem:$0x30];
	_ =	sdelay $0x4  }
0x60: {  	v59 =	vshll.u32 v3, $0x3  }
0x61: {  	v3 =	vand.u32 $0x7, v3;
	v4 =	vand.u32 $0xFFFFFFC0, v59  }
0x62: {  	v3 =	vor.u32 v3, v4  }
0x63: {  	v4 =	vperm.xlane v3, v0;
	_ =	sdelay $0x1  }
0x64: {  	v4 =	vadd.s32 v1, v4;
	_ =	sdelay $0x3  }
0x65: {  	s0 =	simm.s32 $0xC100  }
0x66: {  	[hbm4b:s3+s2] =	stream.indirect_vreg.scatter [tilespmem:s0], [sflag:$0x1], $0x80, v4, vm0, $0xb8;
	[tilespmem:$0x10100] =	vst v63  }
0x67: {  	v3 =	vperm.xlane v3, v2;
	s0 =	simm.s32 $0xC900  }
0x68: {  	[hbm4b:s4+s2] =	stream.indirect_vreg.scatter [tilespmem:s0], [sflag:$0x1], $0x80, v4, vm0, $0xb8;
	[tilespmem:$0x10100] =	vst v63  }
0x69: {  	v3 =	vadd.s32 v1, v3;
	s0 =	simm.s32 $0xD100  }
0x6a: {  	[hbm4b:s5+s2] =	stream.indirect_vreg.scatter [tilespmem:s0], [sflag:$0x1], $0x80, v4, vm0, $0xb8;
	[tilespmem:$0x10100] =	vst v63  }
0x6b: {  	s0 =	simm.s32 $0xD900  }
0x6c: {  	[hbm4b:s6+s2] =	stream.indirect_vreg.scatter [tilespmem:s0], [sflag:$0x1], $0x80, v4, vm0, $0xb8;
	[tilespmem:$0x10100] =	vst v63  }
0x6d: {  	s0 =	simm.s32 $0xE100  }
0x6e: {  	[hbm4b:s3+s2] =	stream.indirect_vreg.scatter [tilespmem:s0], [sflag:$0x1], $0x80, v3, vm0, $0xb8;
	[tilespmem:$0x10100] =	vst v63  }
0x6f: {  	s0 =	simm.s32 $0xE900  }
0x70: {  	[hbm4b:s4+s2] =	stream.indirect_vreg.scatter [tilespmem:s0], [sflag:$0x1], $0x80, v3, vm0, $0xb8;
	[tilespmem:$0x10100] =	vst v63  }
0x71: {  	s0 =	simm.s32 $0xF100  }
0x72: {  	[hbm4b:s5+s2] =	stream.indirect_vreg.scatter [tilespmem:s0], [sflag:$0x1], $0x80, v3, vm0, $0xb8;
	[tilespmem:$0x10100] =	vst v63  }
0x73: {  	s0 =	simm.s32 $0xF900  }
0x74: {  	[hbm4b:s6+s2] =	stream.indirect_vreg.scatter [tilespmem:s0], [sflag:$0x1], $0x80, v3, vm0, $0xb8;
	[tilespmem:$0x10100] =	vst v63  }
0x75: {  	v3 =	vld [tilespmem:$0x80];
	_ =	sdelay $0x4  }
0x76: {  	v60 =	vshll.u32 v3, $0x3  }
0x77: {  	v3 =	vand.u32 $0x7, v3;
	v4 =	vand.u32 $0xFFFFFFC0, v60  }
0x78: {  	v3 =	vor.u32 v3, v4  }
0x79: {  	v4 =	vperm.xlane v3, v0;
	_ =	sdelay $0x1  }
0x7a: {  	v4 =	vadd.s32 v1, v4;
	_ =	sdelay $0x4  }
0x7b: {  	[hbm4b:s3+s2] =	stream.indirect_vreg.scatter [tilespmem:s18], [sflag:$0x1], $0x80, v4, vm0, $0xb8;
	[tilespmem:$0x10100] =	vst v63  }
0x7c: {  	v3 =	vperm.xlane v3, v2  }
0x7d: {  	[hbm4b:s4+s2] =	stream.indirect_vreg.scatter [tilespmem:s19], [sflag:$0x1], $0x80, v4, vm0, $0xb8;
	[tilespmem:$0x10100] =	vst v63  }
0x7e: {  	v3 =	vadd.s32 v1, v3  }
0x7f: {  	[hbm4b:s5+s2] =	stream.indirect_vreg.scatter [tilespmem:s20], [sflag:$0x1], $0x80, v4, vm0, $0xb8;
	[tilespmem:$0x10100] =	vst v63  }
0x80: {  	_ = 	snop  }
0x81: {  	[hbm4b:s6+s2] =	stream.indirect_vreg.scatter [tilespmem:s21], [sflag:$0x1], $0x80, v4, vm0, $0xb8;
	[tilespmem:$0x10100] =	vst v63  }
0x82: {  	_ = 	snop  }
0x83: {  	[hbm4b:s3+s2] =	stream.indirect_vreg.scatter [tilespmem:s22], [sflag:$0x1], $0x80, v3, vm0, $0xb8;
	[tilespmem:$0x10100] =	vst v63  }
0x84: {  	_ = 	snop  }
0x85: {  	[hbm4b:s4+s2] =	stream.indirect_vreg.scatter [tilespmem:s23], [sflag:$0x1], $0x80, v3, vm0, $0xb8;
	[tilespmem:$0x10100] =	vst v63  }
0x86: {  	_ = 	snop  }
0x87: {  	[hbm4b:s5+s2] =	stream.indirect_vreg.scatter [tilespmem:s24], [sflag:$0x1], $0x80, v3, vm0, $0xb8;
	[tilespmem:$0x10100] =	vst v63  }
0x88: {  	_ = 	snop  }
0x89: {  	[hbm4b:s6+s2] =	stream.indirect_vreg.scatter [tilespmem:s25], [sflag:$0x1], $0x80, v3, vm0, $0xb8;
	[tilespmem:$0x10100] =	vst v63  }
0x8a: {  	v3 =	vld [tilespmem:$0x90];
	_ =	sdelay $0x4  }
0x8b: {  	v61 =	vshll.u32 v3, $0x3  }
0x8c: {  	v3 =	vand.u32 $0x7, v3;
	v4 =	vand.u32 $0xFFFFFFC0, v61  }
0x8d: {  	v3 =	vor.u32 v3, v4  }
0x8e: {  	v4 =	vperm.xlane v3, v0;
	_ =	sdelay $0x1  }
0x8f: {  	v4 =	vadd.s32 v1, v4;
	_ =	sdelay $0x4  }
0x90: {  	[hbm4b:s3+s2] =	stream.indirect_vreg.scatter [tilespmem:s26], [sflag:$0x1], $0x80, v4, vm0, $0xb8;
	[tilespmem:$0x10100] =	vst v63  }
0x91: {  	v3 =	vperm.xlane v3, v2  }
0x92: {  	[hbm4b:s4+s2] =	stream.indirect_vreg.scatter [tilespmem:s28], [sflag:$0x1], $0x80, v4, vm0, $0xb8;
	[tilespmem:$0x10100] =	vst v63  }
0x93: {  	v3 =	vadd.s32 v1, v3  }
0x94: {  	[hbm4b:s5+s2] =	stream.indirect_vreg.scatter [tilespmem:s29], [sflag:$0x1], $0x80, v4, vm0, $0xb8;
	[tilespmem:$0x10100] =	vst v63  }
0x95: {  	_ = 	snop  }
0x96: {  	[hbm4b:s6+s2] =	stream.indirect_vreg.scatter [tilespmem:s30], [sflag:$0x1], $0x80, v4, vm0, $0xb8;
	[tilespmem:$0x10100] =	vst v63  }
0x97: {  	_ = 	snop  }
0x98: {  	[hbm4b:s3+s2] =	stream.indirect_vreg.scatter [tilespmem:s31], [sflag:$0x1], $0x80, v3, vm0, $0xb8;
	[tilespmem:$0x10100] =	vst v63  }
0x99: {  	_ = 	snop  }
0x9a: {  	[hbm4b:s4+s2] =	stream.indirect_vreg.scatter [tilespmem:s1], [sflag:$0x1], $0x80, v3, vm0, $0xb8;
	[tilespmem:$0x10100] =	vst v63  }
0x9b: {  	s20 =	simm.s32 $0x7100  }
0x9c: {  	[hbm4b:s5+s2] =	stream.indirect_vreg.scatter [tilespmem:s20], [sflag:$0x1], $0x80, v3, vm0, $0xb8;
	[tilespmem:$0x10100] =	vst v63  }
0x9d: {  	_ = 	snop  }
0x9e: {  	[hbm4b:s6+s2] =	stream.indirect_vreg.scatter [tilespmem:s10], [sflag:$0x1], $0x80, v3, vm0, $0xb8;
	[tilespmem:$0x10100] =	vst v63  }
0x9f: {  	v3 =	vld [tilespmem:$0xA0];
	_ =	sdelay $0x4  }
0xa0: {  	v62 =	vshll.u32 v3, $0x3  }
0xa1: {  	v3 =	vand.u32 $0x7, v3;
	v4 =	vand.u32 $0xFFFFFFC0, v62  }
0xa2: {  	v3 =	vor.u32 v3, v4  }
0xa3: {  	v4 =	vperm.xlane v3, v0;
	_ =	sdelay $0x1  }
0xa4: {  	v4 =	vadd.s32 v1, v4;
	_ =	sdelay $0x4  }
0xa5: {  	[hbm4b:s3+s2] =	stream.indirect_vreg.scatter [tilespmem:s11], [sflag:$0x1], $0x80, v4, vm0, $0xb8;
	[tilespmem:$0x10100] =	vst v63  }
0xa6: {  	v3 =	vperm.xlane v3, v2  }
0xa7: {  	[hbm4b:s4+s2] =	stream.indirect_vreg.scatter [tilespmem:s12], [sflag:$0x1], $0x80, v4, vm0, $0xb8;
	[tilespmem:$0x10100] =	vst v63  }
0xa8: {  	v3 =	vadd.s32 v1, v3  }
0xa9: {  	[hbm4b:s5+s2] =	stream.indirect_vreg.scatter [tilespmem:s13], [sflag:$0x1], $0x80, v4, vm0, $0xb8;
	[tilespmem:$0x10100] =	vst v63  }
0xaa: {  	_ = 	snop  }
0xab: {  	[hbm4b:s6+s2] =	stream.indirect_vreg.scatter [tilespmem:s14], [sflag:$0x1], $0x80, v4, vm0, $0xb8;
	[tilespmem:$0x10100] =	vst v63  }
0xac: {  	_ = 	snop  }
0xad: {  	[hbm4b:s3+s2] =	stream.indirect_vreg.scatter [tilespmem:s15], [sflag:$0x1], $0x80, v3, vm0, $0xb8;
	[tilespmem:$0x10100] =	vst v63  }
0xae: {  	_ = 	snop  }
0xaf: {  	[hbm4b:s4+s2] =	stream.indirect_vreg.scatter [tilespmem:s16], [sflag:$0x1], $0x80, v3, vm0, $0xb8;
	[tilespmem:$0x10100] =	vst v63  }
0xb0: {  	_ = 	snop  }
0xb1: {  	[hbm4b:s5+s2] =	stream.indirect_vreg.scatter [tilespmem:s17], [sflag:$0x1], $0x80, v3, vm0, $0xb8;
	[tilespmem:$0x10100] =	vst v63  }
0xb2: {  	_ = 	snop  }
0xb3: {  	[hbm4b:s6+s2] =	stream.indirect_vreg.scatter [tilespmem:s9], [sflag:$0x1], $0x80, v3, vm0, $0xb8;
	[tilespmem:$0x10100] =	vst v63  }
0xb4: {  	v3 =	vld [tilespmem:$0xB0];
	_ =	sdelay $0x4  }
0xb5: {  	v63 =	vshll.u32 v3, $0x3  }
0xb6: {  	v3 =	vand.u32 $0x7, v3;
	v4 =	vand.u32 $0xFFFFFFC0, v63  }
0xb7: {  	v3 =	vor.u32 v3, v4  }
0xb8: {  	v4 =	vperm.xlane v3, v0;
	_ =	sdelay $0x1  }
0xb9: {  	v4 =	vadd.s32 v1, v4;
	_ =	sdelay $0x3  }
0xba: {  	s19 =	simm.s32 $0xC100  }
0xbb: {  	[hbm4b:s3+s2] =	stream.indirect_vreg.scatter [tilespmem:s19], [sflag:$0x1], $0x80, v4, vm0, $0xb8;
	[tilespmem:$0x10100] =	vst v63  }
0xbc: {  	s20 =	simm.s32 $0xC900;
	v3 =	vperm.xlane v3, v2  }
0xbd: {  	[hbm4b:s4+s2] =	stream.indirect_vreg.scatter [tilespmem:s20], [sflag:$0x1], $0x80, v4, vm0, $0xb8;
	[tilespmem:$0x10100] =	vst v63  }
0xbe: {  	v3 =	vadd.s32 v1, v3;
	s19 =	simm.s32 $0xD100  }
0xbf: {  	[hbm4b:s5+s2] =	stream.indirect_vreg.scatter [tilespmem:s19], [sflag:$0x1], $0x80, v4, vm0, $0xb8;
	[tilespmem:$0x10100] =	vst v63  }
0xc0: {  	s20 =	simm.s32 $0xD900  }
0xc1: {  	[hbm4b:s6+s2] =	stream.indirect_vreg.scatter [tilespmem:s20], [sflag:$0x1], $0x80, v4, vm0, $0xb8;
	[tilespmem:$0x10100] =	vst v63  }
0xc2: {  	s19 =	simm.s32 $0xE100  }
0xc3: {  	[hbm4b:s3+s2] =	stream.indirect_vreg.scatter [tilespmem:s19], [sflag:$0x1], $0x80, v3, vm0, $0xb8;
	[tilespmem:$0x10100] =	vst v63  }
0xc4: {  	s20 =	simm.s32 $0xE900  }
0xc5: {  	[hbm4b:s4+s2] =	stream.indirect_vreg.scatter [tilespmem:s20], [sflag:$0x1], $0x80, v3, vm0, $0xb8;
	[tilespmem:$0x10100] =	vst v63  }
0xc6: {  	s19 =	simm.s32 $0xF100  }
0xc7: {  	[hbm4b:s5+s2] =	stream.indirect_vreg.scatter [tilespmem:s19], [sflag:$0x1], $0x80, v3, vm0, $0xb8;
	[tilespmem:$0x10100] =	vst v63  }
0xc8: {  	s20 =	simm.s32 $0x1  }
0xc9: {  	[hbm4b:s6+s2] =	stream.indirect_vreg.scatter [tilespmem:s0], [sflag:$0x1], $0x80, v3, vm0, $0xb8;
	[tilespmem:$0x10100] =	vst v63  }
0xca: {  	p0 =	sne.s32 s7, $0x1;
	_ =	swait.ge [sflag:s20], $0x10000  }
.Ltmp0:
0xcb: {  	[sflag:s20] =	ssyncset.done $0x0;
	(pc) =	sbr.rel @p0 .LBB2_1-.Ltmp0, $4  }
0xcc: {  	[sflag:s20] =	ssyncadd.s32 $0xFFFF0000  }
0xcd: {  	_ =	swait.ge [sflag:s20], $0x10000  }
0xce: {  	[sflag:s20] =	ssyncset.done $0x0  }
0xcf: {  	s7 =	sadd.s32 $0xFFFFFFFF, s7;
	[sflag:s20] =	ssyncadd.s32 $0xFFFF0000  }
0xd0: {  	_ =	sfence.sel $0x180000  }
0xd1: {  	[bflag:$0x0] =	sbarrier.arrive $0xFFFF  }
0xd2: {  	_ =	strace $0x90000047  }
0xd3: {  	s0 =	stileid.u32;
	[bflag:$0x2] =	sbarrier.arrive $0xFFFF  }
0xd4: {  	p0 =	sne.s32 s0, $0x0;
	s0 =	rddreg [dreg:$0x2]  }
0xd5: {  	s0 =	sadd.s32 @!p0 $0x100000, s0  }
0xd6: {  	[sflag:s0] =	ssyncadd.tile.s32 @!p0 $0x1;
	_ =	shalt  }
.Lfunc_end2:
_tile_overlayer_lowered:
.L_overlay_start_2:
0xd7: {  	(tag) =	ssettag $0x2  }
0xd8: {  	s0 =	rddreg [dreg:$0x0];
	s2 =	stileid.u32  }
0xd9: {  	s1 =	rddreg [dreg:$0x1];
	p0 =	sne.s32 s2, $0x0  }
0xda: {  	s3 =	rddreg [dreg:$0x2];
	[bflag:$0x3] =	sbarrier.arrive $0xFFFF;
	s2 =	simm.s32 @!p0 $0x1C02  }
0xdb: {  	[timem:s3], [sflag:s2] =	dma.local @!p0 [hbm:s0], s1  }
0xdc: {  	s0 =	simm.s32 @!p0 $0x2  }
0xdd: {  	_ =	swait.ge @!p0 [sflag:s0], s1  }
0xde: {  	s1 =	ssub.s32 @!p0 $0x0, s1;
	[sflag:s0] =	ssyncset.done @!p0 $0x0  }
0xdf: {  	[sflag:s0] =	ssyncadd.s32 @!p0 s1  }
0xe0: {  	[bflag:$0x3] =	sbarrier.arrive $0xFFFF  }
0xe1: {  	_ =	shalt  }

</sc_bundles>
